<compile_context>
chip_gen: v7x
topology: tpu7x:2x2x1
jax: 0.10.2.dev20260603
libtpu: 0.0.44.dev20260713+nightly
codegen_flags: <defaults>
</compile_context>

<pallas_src>
import functools

import jax
import jax.numpy as jnp
from jax import lax
from jax.experimental import pallas as pl
from jax.experimental.pallas import tpu as pltpu
from jax.experimental.pallas import tpu_sc as plsc

VOCAB = 100000
EMB_DIM = 128
BATCH = 4096
HIST = 200

NUM_WORKERS = 32
TOTAL = BATCH * HIST
ROWS_PER_W = TOTAL // NUM_WORKERS
CHUNK = 128
NCHUNKS = ROWS_PER_W // CHUNK
NSIDES = 5


def _make_lookup():
  mesh = plsc.VectorSubcoreMesh(core_axis_name="c", subcore_axis_name="s")

  scratch = (
      [pltpu.VMEM((ROWS_PER_W,), jnp.int32)]
      + [pltpu.VMEM((CHUNK, EMB_DIM), jnp.float32)] * NSIDES
      + [pltpu.SemaphoreType.DMA] * (2 * NSIDES)
  )

  @functools.partial(
      pl.kernel,
      mesh=mesh,
      out_type=jax.ShapeDtypeStruct((TOTAL, EMB_DIM), jnp.float32),
      scratch_types=scratch,
  )
  def lookup(table_hbm, idx_hbm, out_hbm, idx_v, *rest):
    bufs = rest[:NSIDES]
    gsems = rest[NSIDES:2 * NSIDES]
    ssems = rest[2 * NSIDES:]

    wid = lax.axis_index("s") * 2 + lax.axis_index("c")
    base = wid * ROWS_PER_W
    pltpu.sync_copy(idx_hbm.at[pl.ds(base, ROWS_PER_W)], idx_v)

    def g_copy(side, t):
      return pltpu.make_async_copy(
          table_hbm.at[idx_v.at[pl.ds(t * CHUNK, CHUNK)]],
          bufs[side], gsems[side])

    def s_copy(side, t):
      return pltpu.make_async_copy(
          bufs[side], out_hbm.at[pl.ds(base + t * CHUNK, CHUNK)],
          ssems[side])

    def turn(t, side, issue_next):
      prev = (side - 1) % NSIDES
      g_copy(side, t).wait()
      s_copy(side, t).start()
      s_copy(prev, t - 1).wait()
      if issue_next:
        g_copy(prev, t + NSIDES - 1).start()

    for g in range(NSIDES):
      g_copy(g, g).start()

    g_copy(0, 0).wait()
    s_copy(0, 0).start()
    for t in range(1, NSIDES):
      turn(t, t, True)

    def body(k, carry):
      t0 = k * NSIDES
      for b in range(NSIDES):
        turn(t0 + b, b, True)
      return carry

    lax.fori_loop(1, NCHUNKS // NSIDES - 1, body, 0)

    last = NCHUNKS - NSIDES
    turn(last, 0, True)
    for b in range(1, NSIDES):
      turn(last + b, b, False)
    s_copy(NSIDES - 1, NCHUNKS - 1).wait()

  return lookup


_lookup = _make_lookup()


def kernel(x, embedding_matrix):
  idx = x.reshape(TOTAL).astype(jnp.int32)
  out = _lookup(embedding_matrix, idx)
  return out.reshape(BATCH, HIST, EMB_DIM)

# --- scband reference (transcript-rebuilt; emitter-appended) ---
"""Pipeline reference for scband-embedding-10428180595352 (READ-ONLY COPY).

The authoritative reference and input builder live on the scoring server;
editing this copy changes nothing except your own understanding.
"""

import jax, jax.numpy as jnp
import numpy as np

VOCAB = 100000
EMB_DIM = 128
BATCH = 4096
HIST = 200

def setup_inputs(seed: int = 0) -> dict:
    key = jax.random.key(seed)
    k1, k2 = jax.random.split(key)
    x = jax.random.randint(k1, (BATCH, HIST), 0, VOCAB, dtype=jnp.int64 if jax.config.jax_enable_x64 else jnp.int32)
    embedding_matrix = jax.random.uniform(k2, (VOCAB, EMB_DIM), dtype=jnp.float32)
    return {"x": x, "embedding_matrix": embedding_matrix}

def reference(x, embedding_matrix):
    # F.embedding(x, W) == W[x]
    return jnp.take(embedding_matrix, x, axis=0)

if __name__ == "__main__":
    import jax
    _d = setup_inputs()
    print(jax.jit(kernel)(*tuple(_d.values())))

</pallas_src>

<mosaic_0001>
#map = affine_map<(d0, d1) -> (0, 0)>
#map1 = affine_map<(d0, d1) -> (0)>
module attributes {stable_mosaic.version = 14 : i64} {
  func.func @lookup(%arg0: i32, %arg1: i32, %arg2: memref<100000x128xf32, #tpu.memory_space<hbm>>, %arg3: memref<819200xi32, #tpu.memory_space<hbm>>, %arg4: memref<819200x128xf32, #tpu.memory_space<hbm>>, %arg5: memref<25600xi32, #tpu.memory_space<vmem>>, %arg6: memref<128x128xf32, #tpu.memory_space<vmem>>, %arg7: memref<128x128xf32, #tpu.memory_space<vmem>>, %arg8: memref<128x128xf32, #tpu.memory_space<vmem>>, %arg9: memref<128x128xf32, #tpu.memory_space<vmem>>, %arg10: memref<128x128xf32, #tpu.memory_space<vmem>>, %arg11: memref<!tpu.dma_semaphore, #tpu.memory_space<semaphore_mem>>, %arg12: memref<!tpu.dma_semaphore, #tpu.memory_space<semaphore_mem>>, %arg13: memref<!tpu.dma_semaphore, #tpu.memory_space<semaphore_mem>>, %arg14: memref<!tpu.dma_semaphore, #tpu.memory_space<semaphore_mem>>, %arg15: memref<!tpu.dma_semaphore, #tpu.memory_space<semaphore_mem>>, %arg16: memref<!tpu.dma_semaphore, #tpu.memory_space<semaphore_mem>>, %arg17: memref<!tpu.dma_semaphore, #tpu.memory_space<semaphore_mem>>, %arg18: memref<!tpu.dma_semaphore, #tpu.memory_space<semaphore_mem>>, %arg19: memref<!tpu.dma_semaphore, #tpu.memory_space<semaphore_mem>>, %arg20: memref<!tpu.dma_semaphore, #tpu.memory_space<semaphore_mem>>) attributes {dimension_semantics = [#tpu.dimension_semantics<core_parallel>, #tpu.dimension_semantics<subcore_parallel>], iteration_bounds = array<i64: 2, 16>, scalar_prefetch = 0 : i64, scratch_operands = 16 : i64, tpu.core_type = #tpu.core_type<sc_vector_subcore>, window_params = [{transform_indices = #map}, {transform_indices = #map1}, {transform_indices = #map}]} {
    %mul3A = arith.constant 2 : i32
    %mul3A_0 = arith.muli %arg1, %mul3A : i32
    %add3A = arith.addi %mul3A_0, %arg0 : i32
    %mul3A_1 = arith.constant 25600 : i32
    %mul3A_2 = arith.muli %add3A, %mul3A_1 : i32
    "tpu.region"() ({
      %run_scoped3A = tpu.sem_alloc : memref<!tpu.dma_semaphore, #tpu.memory_space<semaphore_mem>>
      %dma_start3A_226 = tpu.memref_slice %arg3[%mul3A_2] : memref<819200xi32, #tpu.memory_space<hbm>> -> memref<25600xi32, #tpu.memory_space<hbm>>
      %dma_start3A_227 = tpu.memref_slice %arg3[%mul3A_2] : memref<819200xi32, #tpu.memory_space<hbm>> -> memref<25600xi32, #tpu.memory_space<hbm>>
      tpu.enqueue_dma source(%dma_start3A_227 : memref<25600xi32, #tpu.memory_space<hbm>>) target(%arg5 : memref<25600xi32, #tpu.memory_space<vmem>>) target_semaphore(%run_scoped3A : memref<!tpu.dma_semaphore, #tpu.memory_space<semaphore_mem>>)
      %dma_wait3A_228 = tpu.memref_slice %arg3[%mul3A_2] : memref<819200xi32, #tpu.memory_space<hbm>> -> memref<25600xi32, #tpu.memory_space<hbm>>
      %dma_wait3A_229 = tpu.memref_slice %arg3[%mul3A_2] : memref<819200xi32, #tpu.memory_space<hbm>> -> memref<25600xi32, #tpu.memory_space<hbm>>
      tpu.wait_dma2 semaphore(%run_scoped3A : memref<!tpu.dma_semaphore, #tpu.memory_space<semaphore_mem>>) src(%dma_wait3A_229 : memref<25600xi32, #tpu.memory_space<hbm>>) dst(%arg5 : memref<25600xi32, #tpu.memory_space<vmem>>)
      tpu.yield
    }) : () -> ()
    %dma_start3A = arith.constant 0 : i32
    %dma_start3A_3 = tpu.memref_slice %arg5[%dma_start3A] : memref<25600xi32, #tpu.memory_space<vmem>> -> memref<128xi32, #tpu.memory_space<vmem>>
    %dma_start3A_4 = arith.constant 0 : i32
    %dma_start3A_5 = arith.constant 0 : i32
    %dma_start3A_6 = tpu.memref_slice %arg2[%dma_start3A_4, %dma_start3A_5] : memref<100000x128xf32, #tpu.memory_space<hbm>> -> memref<100000x128xf32, #tpu.memory_space<hbm>>
    tpu.enqueue_indirect_dma source(%dma_start3A_6 : memref<100000x128xf32, #tpu.memory_space<hbm>>) target(%arg6 : memref<128x128xf32, #tpu.memory_space<vmem>>) offsets(%dma_start3A_3 : memref<128xi32, #tpu.memory_space<vmem>>) semaphore(%arg11 : memref<!tpu.dma_semaphore, #tpu.memory_space<semaphore_mem>>)
    %dma_start3A_7 = arith.constant 128 : i32
    %dma_start3A_8 = tpu.memref_slice %arg5[%dma_start3A_7] : memref<25600xi32, #tpu.memory_space<vmem>> -> memref<128xi32, #tpu.memory_space<vmem>>
    %dma_start3A_9 = arith.constant 0 : i32
    %dma_start3A_10 = arith.constant 0 : i32
    %dma_start3A_11 = tpu.memref_slice %arg2[%dma_start3A_9, %dma_start3A_10] : memref<100000x128xf32, #tpu.memory_space<hbm>> -> memref<100000x128xf32, #tpu.memory_space<hbm>>
    tpu.enqueue_indirect_dma source(%dma_start3A_11 : memref<100000x128xf32, #tpu.memory_space<hbm>>) target(%arg7 : memref<128x128xf32, #tpu.memory_space<vmem>>) offsets(%dma_start3A_8 : memref<128xi32, #tpu.memory_space<vmem>>) semaphore(%arg12 : memref<!tpu.dma_semaphore, #tpu.memory_space<semaphore_mem>>)
    %dma_start3A_12 = arith.constant 256 : i32
    %dma_start3A_13 = tpu.memref_slice %arg5[%dma_start3A_12] : memref<25600xi32, #tpu.memory_space<vmem>> -> memref<128xi32, #tpu.memory_space<vmem>>
    %dma_start3A_14 = arith.constant 0 : i32
    %dma_start3A_15 = arith.constant 0 : i32
    %dma_start3A_16 = tpu.memref_slice %arg2[%dma_start3A_14, %dma_start3A_15] : memref<100000x128xf32, #tpu.memory_space<hbm>> -> memref<100000x128xf32, #tpu.memory_space<hbm>>
    tpu.enqueue_indirect_dma source(%dma_start3A_16 : memref<100000x128xf32, #tpu.memory_space<hbm>>) target(%arg8 : memref<128x128xf32, #tpu.memory_space<vmem>>) offsets(%dma_start3A_13 : memref<128xi32, #tpu.memory_space<vmem>>) semaphore(%arg13 : memref<!tpu.dma_semaphore, #tpu.memory_space<semaphore_mem>>)
    %dma_start3A_17 = arith.constant 384 : i32
    %dma_start3A_18 = tpu.memref_slice %arg5[%dma_start3A_17] : memref<25600xi32, #tpu.memory_space<vmem>> -> memref<128xi32, #tpu.memory_space<vmem>>
    %dma_start3A_19 = arith.constant 0 : i32
    %dma_start3A_20 = arith.constant 0 : i32
    %dma_start3A_21 = tpu.memref_slice %arg2[%dma_start3A_19, %dma_start3A_20] : memref<100000x128xf32, #tpu.memory_space<hbm>> -> memref<100000x128xf32, #tpu.memory_space<hbm>>
    tpu.enqueue_indirect_dma source(%dma_start3A_21 : memref<100000x128xf32, #tpu.memory_space<hbm>>) target(%arg9 : memref<128x128xf32, #tpu.memory_space<vmem>>) offsets(%dma_start3A_18 : memref<128xi32, #tpu.memory_space<vmem>>) semaphore(%arg14 : memref<!tpu.dma_semaphore, #tpu.memory_space<semaphore_mem>>)
    %dma_start3A_22 = arith.constant 512 : i32
    %dma_start3A_23 = tpu.memref_slice %arg5[%dma_start3A_22] : memref<25600xi32, #tpu.memory_space<vmem>> -> memref<128xi32, #tpu.memory_space<vmem>>
    %dma_start3A_24 = arith.constant 0 : i32
    %dma_start3A_25 = arith.constant 0 : i32
    %dma_start3A_26 = tpu.memref_slice %arg2[%dma_start3A_24, %dma_start3A_25] : memref<100000x128xf32, #tpu.memory_space<hbm>> -> memref<100000x128xf32, #tpu.memory_space<hbm>>
    tpu.enqueue_indirect_dma source(%dma_start3A_26 : memref<100000x128xf32, #tpu.memory_space<hbm>>) target(%arg10 : memref<128x128xf32, #tpu.memory_space<vmem>>) offsets(%dma_start3A_23 : memref<128xi32, #tpu.memory_space<vmem>>) semaphore(%arg15 : memref<!tpu.dma_semaphore, #tpu.memory_space<semaphore_mem>>)
    %dma_wait3A = arith.constant 0 : i32
    %dma_wait3A_27 = tpu.memref_slice %arg5[%dma_wait3A] : memref<25600xi32, #tpu.memory_space<vmem>> -> memref<128xi32, #tpu.memory_space<vmem>>
    %dma_wait3A_28 = arith.constant 0 : i32
    %dma_wait3A_29 = arith.constant 0 : i32
    %dma_wait3A_30 = tpu.memref_slice %arg2[%dma_wait3A_28, %dma_wait3A_29] : memref<100000x128xf32, #tpu.memory_space<hbm>> -> memref<100000x128xf32, #tpu.memory_space<hbm>>
    tpu.wait_indirect_dma semaphore(%arg11 : memref<!tpu.dma_semaphore, #tpu.memory_space<semaphore_mem>>) src(%dma_wait3A_30 : memref<100000x128xf32, #tpu.memory_space<hbm>>) dst(%arg6 : memref<128x128xf32, #tpu.memory_space<vmem>>)
    %add3A_31 = arith.constant 0 : i32
    %add3A_32 = arith.addi %mul3A_2, %add3A_31 : i32
    %dma_start3A_33 = arith.constant 0 : i32
    %dma_start3A_34 = tpu.memref_slice %arg4[%add3A_32, %dma_start3A_33] : memref<819200x128xf32, #tpu.memory_space<hbm>> -> memref<128x128xf32, #tpu.memory_space<hbm>>
    %dma_start3A_35 = arith.constant 0 : i32
    %dma_start3A_36 = tpu.memref_slice %arg4[%add3A_32, %dma_start3A_35] : memref<819200x128xf32, #tpu.memory_space<hbm>> -> memref<128x128xf32, #tpu.memory_space<hbm>>
    tpu.enqueue_dma source(%arg6 : memref<128x128xf32, #tpu.memory_space<vmem>>) target(%dma_start3A_36 : memref<128x128xf32, #tpu.memory_space<hbm>>) target_semaphore(%arg16 : memref<!tpu.dma_semaphore, #tpu.memory_space<semaphore_mem>>)
    %dma_wait3A_37 = arith.constant 128 : i32
    %dma_wait3A_38 = tpu.memref_slice %arg5[%dma_wait3A_37] : memref<25600xi32, #tpu.memory_space<vmem>> -> memref<128xi32, #tpu.memory_space<vmem>>
    %dma_wait3A_39 = arith.constant 0 : i32
    %dma_wait3A_40 = arith.constant 0 : i32
    %dma_wait3A_41 = tpu.memref_slice %arg2[%dma_wait3A_39, %dma_wait3A_40] : memref<100000x128xf32, #tpu.memory_space<hbm>> -> memref<100000x128xf32, #tpu.memory_space<hbm>>
    tpu.wait_indirect_dma semaphore(%arg12 : memref<!tpu.dma_semaphore, #tpu.memory_space<semaphore_mem>>) src(%dma_wait3A_41 : memref<100000x128xf32, #tpu.memory_space<hbm>>) dst(%arg7 : memref<128x128xf32, #tpu.memory_space<vmem>>)
    %add3A_42 = arith.constant 128 : i32
    %add3A_43 = arith.addi %mul3A_2, %add3A_42 : i32
    %dma_start3A_44 = arith.constant 0 : i32
    %dma_start3A_45 = tpu.memref_slice %arg4[%add3A_43, %dma_start3A_44] : memref<819200x128xf32, #tpu.memory_space<hbm>> -> memref<128x128xf32, #tpu.memory_space<hbm>>
    %dma_start3A_46 = arith.constant 0 : i32
    %dma_start3A_47 = tpu.memref_slice %arg4[%add3A_43, %dma_start3A_46] : memref<819200x128xf32, #tpu.memory_space<hbm>> -> memref<128x128xf32, #tpu.memory_space<hbm>>
    tpu.enqueue_dma source(%arg7 : memref<128x128xf32, #tpu.memory_space<vmem>>) target(%dma_start3A_47 : memref<128x128xf32, #tpu.memory_space<hbm>>) target_semaphore(%arg17 : memref<!tpu.dma_semaphore, #tpu.memory_space<semaphore_mem>>)
    %add3A_48 = arith.constant 0 : i32
    %add3A_49 = arith.addi %mul3A_2, %add3A_48 : i32
    %dma_wait3A_50 = arith.constant 0 : i32
    %dma_wait3A_51 = tpu.memref_slice %arg4[%add3A_49, %dma_wait3A_50] : memref<819200x128xf32, #tpu.memory_space<hbm>> -> memref<128x128xf32, #tpu.memory_space<hbm>>
    %dma_wait3A_52 = arith.constant 0 : i32
    %dma_wait3A_53 = tpu.memref_slice %arg4[%add3A_49, %dma_wait3A_52] : memref<819200x128xf32, #tpu.memory_space<hbm>> -> memref<128x128xf32, #tpu.memory_space<hbm>>
    tpu.wait_dma2 semaphore(%arg16 : memref<!tpu.dma_semaphore, #tpu.memory_space<semaphore_mem>>) src(%arg6 : memref<128x128xf32, #tpu.memory_space<vmem>>) dst(%dma_wait3A_53 : memref<128x128xf32, #tpu.memory_space<hbm>>)
    %dma_start3A_54 = arith.constant 640 : i32
    %dma_start3A_55 = tpu.memref_slice %arg5[%dma_start3A_54] : memref<25600xi32, #tpu.memory_space<vmem>> -> memref<128xi32, #tpu.memory_space<vmem>>
    %dma_start3A_56 = arith.constant 0 : i32
    %dma_start3A_57 = arith.constant 0 : i32
    %dma_start3A_58 = tpu.memref_slice %arg2[%dma_start3A_56, %dma_start3A_57] : memref<100000x128xf32, #tpu.memory_space<hbm>> -> memref<100000x128xf32, #tpu.memory_space<hbm>>
    tpu.enqueue_indirect_dma source(%dma_start3A_58 : memref<100000x128xf32, #tpu.memory_space<hbm>>) target(%arg6 : memref<128x128xf32, #tpu.memory_space<vmem>>) offsets(%dma_start3A_55 : memref<128xi32, #tpu.memory_space<vmem>>) semaphore(%arg11 : memref<!tpu.dma_semaphore, #tpu.memory_space<semaphore_mem>>)
    %dma_wait3A_59 = arith.constant 256 : i32
    %dma_wait3A_60 = tpu.memref_slice %arg5[%dma_wait3A_59] : memref<25600xi32, #tpu.memory_space<vmem>> -> memref<128xi32, #tpu.memory_space<vmem>>
    %dma_wait3A_61 = arith.constant 0 : i32
    %dma_wait3A_62 = arith.constant 0 : i32
    %dma_wait3A_63 = tpu.memref_slice %arg2[%dma_wait3A_61, %dma_wait3A_62] : memref<100000x128xf32, #tpu.memory_space<hbm>> -> memref<100000x128xf32, #tpu.memory_space<hbm>>
    tpu.wait_indirect_dma semaphore(%arg13 : memref<!tpu.dma_semaphore, #tpu.memory_space<semaphore_mem>>) src(%dma_wait3A_63 : memref<100000x128xf32, #tpu.memory_space<hbm>>) dst(%arg8 : memref<128x128xf32, #tpu.memory_space<vmem>>)
    %add3A_64 = arith.constant 256 : i32
    %add3A_65 = arith.addi %mul3A_2, %add3A_64 : i32
    %dma_start3A_66 = arith.constant 0 : i32
    %dma_start3A_67 = tpu.memref_slice %arg4[%add3A_65, %dma_start3A_66] : memref<819200x128xf32, #tpu.memory_space<hbm>> -> memref<128x128xf32, #tpu.memory_space<hbm>>
    %dma_start3A_68 = arith.constant 0 : i32
    %dma_start3A_69 = tpu.memref_slice %arg4[%add3A_65, %dma_start3A_68] : memref<819200x128xf32, #tpu.memory_space<hbm>> -> memref<128x128xf32, #tpu.memory_space<hbm>>
    tpu.enqueue_dma source(%arg8 : memref<128x128xf32, #tpu.memory_space<vmem>>) target(%dma_start3A_69 : memref<128x128xf32, #tpu.memory_space<hbm>>) target_semaphore(%arg18 : memref<!tpu.dma_semaphore, #tpu.memory_space<semaphore_mem>>)
    %add3A_70 = arith.constant 128 : i32
    %add3A_71 = arith.addi %mul3A_2, %add3A_70 : i32
    %dma_wait3A_72 = arith.constant 0 : i32
    %dma_wait3A_73 = tpu.memref_slice %arg4[%add3A_71, %dma_wait3A_72] : memref<819200x128xf32, #tpu.memory_space<hbm>> -> memref<128x128xf32, #tpu.memory_space<hbm>>
    %dma_wait3A_74 = arith.constant 0 : i32
    %dma_wait3A_75 = tpu.memref_slice %arg4[%add3A_71, %dma_wait3A_74] : memref<819200x128xf32, #tpu.memory_space<hbm>> -> memref<128x128xf32, #tpu.memory_space<hbm>>
    tpu.wait_dma2 semaphore(%arg17 : memref<!tpu.dma_semaphore, #tpu.memory_space<semaphore_mem>>) src(%arg7 : memref<128x128xf32, #tpu.memory_space<vmem>>) dst(%dma_wait3A_75 : memref<128x128xf32, #tpu.memory_space<hbm>>)
    %dma_start3A_76 = arith.constant 768 : i32
    %dma_start3A_77 = tpu.memref_slice %arg5[%dma_start3A_76] : memref<25600xi32, #tpu.memory_space<vmem>> -> memref<128xi32, #tpu.memory_space<vmem>>
    %dma_start3A_78 = arith.constant 0 : i32
    %dma_start3A_79 = arith.constant 0 : i32
    %dma_start3A_80 = tpu.memref_slice %arg2[%dma_start3A_78, %dma_start3A_79] : memref<100000x128xf32, #tpu.memory_space<hbm>> -> memref<100000x128xf32, #tpu.memory_space<hbm>>
    tpu.enqueue_indirect_dma source(%dma_start3A_80 : memref<100000x128xf32, #tpu.memory_space<hbm>>) target(%arg7 : memref<128x128xf32, #tpu.memory_space<vmem>>) offsets(%dma_start3A_77 : memref<128xi32, #tpu.memory_space<vmem>>) semaphore(%arg12 : memref<!tpu.dma_semaphore, #tpu.memory_space<semaphore_mem>>)
    %dma_wait3A_81 = arith.constant 384 : i32
    %dma_wait3A_82 = tpu.memref_slice %arg5[%dma_wait3A_81] : memref<25600xi32, #tpu.memory_space<vmem>> -> memref<128xi32, #tpu.memory_space<vmem>>
    %dma_wait3A_83 = arith.constant 0 : i32
    %dma_wait3A_84 = arith.constant 0 : i32
    %dma_wait3A_85 = tpu.memref_slice %arg2[%dma_wait3A_83, %dma_wait3A_84] : memref<100000x128xf32, #tpu.memory_space<hbm>> -> memref<100000x128xf32, #tpu.memory_space<hbm>>
    tpu.wait_indirect_dma semaphore(%arg14 : memref<!tpu.dma_semaphore, #tpu.memory_space<semaphore_mem>>) src(%dma_wait3A_85 : memref<100000x128xf32, #tpu.memory_space<hbm>>) dst(%arg9 : memref<128x128xf32, #tpu.memory_space<vmem>>)
    %add3A_86 = arith.constant 384 : i32
    %add3A_87 = arith.addi %mul3A_2, %add3A_86 : i32
    %dma_start3A_88 = arith.constant 0 : i32
    %dma_start3A_89 = tpu.memref_slice %arg4[%add3A_87, %dma_start3A_88] : memref<819200x128xf32, #tpu.memory_space<hbm>> -> memref<128x128xf32, #tpu.memory_space<hbm>>
    %dma_start3A_90 = arith.constant 0 : i32
    %dma_start3A_91 = tpu.memref_slice %arg4[%add3A_87, %dma_start3A_90] : memref<819200x128xf32, #tpu.memory_space<hbm>> -> memref<128x128xf32, #tpu.memory_space<hbm>>
    tpu.enqueue_dma source(%arg9 : memref<128x128xf32, #tpu.memory_space<vmem>>) target(%dma_start3A_91 : memref<128x128xf32, #tpu.memory_space<hbm>>) target_semaphore(%arg19 : memref<!tpu.dma_semaphore, #tpu.memory_space<semaphore_mem>>)
    %add3A_92 = arith.constant 256 : i32
    %add3A_93 = arith.addi %mul3A_2, %add3A_92 : i32
    %dma_wait3A_94 = arith.constant 0 : i32
    %dma_wait3A_95 = tpu.memref_slice %arg4[%add3A_93, %dma_wait3A_94] : memref<819200x128xf32, #tpu.memory_space<hbm>> -> memref<128x128xf32, #tpu.memory_space<hbm>>
    %dma_wait3A_96 = arith.constant 0 : i32
    %dma_wait3A_97 = tpu.memref_slice %arg4[%add3A_93, %dma_wait3A_96] : memref<819200x128xf32, #tpu.memory_space<hbm>> -> memref<128x128xf32, #tpu.memory_space<hbm>>
    tpu.wait_dma2 semaphore(%arg18 : memref<!tpu.dma_semaphore, #tpu.memory_space<semaphore_mem>>) src(%arg8 : memref<128x128xf32, #tpu.memory_space<vmem>>) dst(%dma_wait3A_97 : memref<128x128xf32, #tpu.memory_space<hbm>>)
    %dma_start3A_98 = arith.constant 896 : i32
    %dma_start3A_99 = tpu.memref_slice %arg5[%dma_start3A_98] : memref<25600xi32, #tpu.memory_space<vmem>> -> memref<128xi32, #tpu.memory_space<vmem>>
    %dma_start3A_100 = arith.constant 0 : i32
    %dma_start3A_101 = arith.constant 0 : i32
    %dma_start3A_102 = tpu.memref_slice %arg2[%dma_start3A_100, %dma_start3A_101] : memref<100000x128xf32, #tpu.memory_space<hbm>> -> memref<100000x128xf32, #tpu.memory_space<hbm>>
    tpu.enqueue_indirect_dma source(%dma_start3A_102 : memref<100000x128xf32, #tpu.memory_space<hbm>>) target(%arg8 : memref<128x128xf32, #tpu.memory_space<vmem>>) offsets(%dma_start3A_99 : memref<128xi32, #tpu.memory_space<vmem>>) semaphore(%arg13 : memref<!tpu.dma_semaphore, #tpu.memory_space<semaphore_mem>>)
    %dma_wait3A_103 = arith.constant 512 : i32
    %dma_wait3A_104 = tpu.memref_slice %arg5[%dma_wait3A_103] : memref<25600xi32, #tpu.memory_space<vmem>> -> memref<128xi32, #tpu.memory_space<vmem>>
    %dma_wait3A_105 = arith.constant 0 : i32
    %dma_wait3A_106 = arith.constant 0 : i32
    %dma_wait3A_107 = tpu.memref_slice %arg2[%dma_wait3A_105, %dma_wait3A_106] : memref<100000x128xf32, #tpu.memory_space<hbm>> -> memref<100000x128xf32, #tpu.memory_space<hbm>>
    tpu.wait_indirect_dma semaphore(%arg15 : memref<!tpu.dma_semaphore, #tpu.memory_space<semaphore_mem>>) src(%dma_wait3A_107 : memref<100000x128xf32, #tpu.memory_space<hbm>>) dst(%arg10 : memref<128x128xf32, #tpu.memory_space<vmem>>)
    %add3A_108 = arith.constant 512 : i32
    %add3A_109 = arith.addi %mul3A_2, %add3A_108 : i32
    %dma_start3A_110 = arith.constant 0 : i32
    %dma_start3A_111 = tpu.memref_slice %arg4[%add3A_109, %dma_start3A_110] : memref<819200x128xf32, #tpu.memory_space<hbm>> -> memref<128x128xf32, #tpu.memory_space<hbm>>
    %dma_start3A_112 = arith.constant 0 : i32
    %dma_start3A_113 = tpu.memref_slice %arg4[%add3A_109, %dma_start3A_112] : memref<819200x128xf32, #tpu.memory_space<hbm>> -> memref<128x128xf32, #tpu.memory_space<hbm>>
    tpu.enqueue_dma source(%arg10 : memref<128x128xf32, #tpu.memory_space<vmem>>) target(%dma_start3A_113 : memref<128x128xf32, #tpu.memory_space<hbm>>) target_semaphore(%arg20 : memref<!tpu.dma_semaphore, #tpu.memory_space<semaphore_mem>>)
    %add3A_114 = arith.constant 384 : i32
    %add3A_115 = arith.addi %mul3A_2, %add3A_114 : i32
    %dma_wait3A_116 = arith.constant 0 : i32
    %dma_wait3A_117 = tpu.memref_slice %arg4[%add3A_115, %dma_wait3A_116] : memref<819200x128xf32, #tpu.memory_space<hbm>> -> memref<128x128xf32, #tpu.memory_space<hbm>>
    %dma_wait3A_118 = arith.constant 0 : i32
    %dma_wait3A_119 = tpu.memref_slice %arg4[%add3A_115, %dma_wait3A_118] : memref<819200x128xf32, #tpu.memory_space<hbm>> -> memref<128x128xf32, #tpu.memory_space<hbm>>
    tpu.wait_dma2 semaphore(%arg19 : memref<!tpu.dma_semaphore, #tpu.memory_space<semaphore_mem>>) src(%arg9 : memref<128x128xf32, #tpu.memory_space<vmem>>) dst(%dma_wait3A_119 : memref<128x128xf32, #tpu.memory_space<hbm>>)
    %dma_start3A_120 = arith.constant 1024 : i32
    %dma_start3A_121 = tpu.memref_slice %arg5[%dma_start3A_120] : memref<25600xi32, #tpu.memory_space<vmem>> -> memref<128xi32, #tpu.memory_space<vmem>>
    %dma_start3A_122 = arith.constant 0 : i32
    %dma_start3A_123 = arith.constant 0 : i32
    %dma_start3A_124 = tpu.memref_slice %arg2[%dma_start3A_122, %dma_start3A_123] : memref<100000x128xf32, #tpu.memory_space<hbm>> -> memref<100000x128xf32, #tpu.memory_space<hbm>>
    tpu.enqueue_indirect_dma source(%dma_start3A_124 : memref<100000x128xf32, #tpu.memory_space<hbm>>) target(%arg9 : memref<128x128xf32, #tpu.memory_space<vmem>>) offsets(%dma_start3A_121 : memref<128xi32, #tpu.memory_space<vmem>>) semaphore(%arg14 : memref<!tpu.dma_semaphore, #tpu.memory_space<semaphore_mem>>)
    %scan3A = arith.constant 0 : i32
    %scan3A_125 = arith.constant 1 : i32
    %scan3A_126 = arith.constant 38 : i32
    %scan3A_127 = arith.addi %scan3A_125, %scan3A_126 : i32
    %scan3A_128 = arith.constant 1 : i32
    scf.for %scan3A_226 = %scan3A_125 to %scan3A_127 step %scan3A_128  : i32 {
      %mul3A_227 = arith.constant 5 : i32
      %mul3A_228 = arith.muli %scan3A_226, %mul3A_227 : i32
      %add3A_229 = arith.constant 0 : i32
      %add3A_230 = arith.addi %mul3A_228, %add3A_229 : i32
      %mul3A_231 = arith.constant 128 : i32
      %mul3A_232 = arith.muli %add3A_230, %mul3A_231 : i32
      %dma_wait3A_233 = tpu.memref_slice %arg5[%mul3A_232] : memref<25600xi32, #tpu.memory_space<vmem>> -> memref<128xi32, #tpu.memory_space<vmem>>
      %dma_wait3A_234 = arith.constant 0 : i32
      %dma_wait3A_235 = arith.constant 0 : i32
      %dma_wait3A_236 = tpu.memref_slice %arg2[%dma_wait3A_234, %dma_wait3A_235] : memref<100000x128xf32, #tpu.memory_space<hbm>> -> memref<100000x128xf32, #tpu.memory_space<hbm>>
      tpu.wait_indirect_dma semaphore(%arg11 : memref<!tpu.dma_semaphore, #tpu.memory_space<semaphore_mem>>) src(%dma_wait3A_236 : memref<100000x128xf32, #tpu.memory_space<hbm>>) dst(%arg6 : memref<128x128xf32, #tpu.memory_space<vmem>>)
      %mul3A_237 = arith.constant 128 : i32
      %mul3A_238 = arith.muli %add3A_230, %mul3A_237 : i32
      %add3A_239 = arith.addi %mul3A_2, %mul3A_238 : i32
      %dma_start3A_240 = arith.constant 0 : i32
      %dma_start3A_241 = tpu.memref_slice %arg4[%add3A_239, %dma_start3A_240] : memref<819200x128xf32, #tpu.memory_space<hbm>> -> memref<128x128xf32, #tpu.memory_space<hbm>>
      %dma_start3A_242 = arith.constant 0 : i32
      %dma_start3A_243 = tpu.memref_slice %arg4[%add3A_239, %dma_start3A_242] : memref<819200x128xf32, #tpu.memory_space<hbm>> -> memref<128x128xf32, #tpu.memory_space<hbm>>
      tpu.enqueue_dma source(%arg6 : memref<128x128xf32, #tpu.memory_space<vmem>>) target(%dma_start3A_243 : memref<128x128xf32, #tpu.memory_space<hbm>>) target_semaphore(%arg16 : memref<!tpu.dma_semaphore, #tpu.memory_space<semaphore_mem>>)
      %sub3A = arith.constant 1 : i32
      %sub3A_244 = arith.subi %add3A_230, %sub3A : i32
      %mul3A_245 = arith.constant 128 : i32
      %mul3A_246 = arith.muli %sub3A_244, %mul3A_245 : i32
      %add3A_247 = arith.addi %mul3A_2, %mul3A_246 : i32
      %dma_wait3A_248 = arith.constant 0 : i32
      %dma_wait3A_249 = tpu.memref_slice %arg4[%add3A_247, %dma_wait3A_248] : memref<819200x128xf32, #tpu.memory_space<hbm>> -> memref<128x128xf32, #tpu.memory_space<hbm>>
      %dma_wait3A_250 = arith.constant 0 : i32
      %dma_wait3A_251 = tpu.memref_slice %arg4[%add3A_247, %dma_wait3A_250] : memref<819200x128xf32, #tpu.memory_space<hbm>> -> memref<128x128xf32, #tpu.memory_space<hbm>>
      tpu.wait_dma2 semaphore(%arg20 : memref<!tpu.dma_semaphore, #tpu.memory_space<semaphore_mem>>) src(%arg10 : memref<128x128xf32, #tpu.memory_space<vmem>>) dst(%dma_wait3A_251 : memref<128x128xf32, #tpu.memory_space<hbm>>)
      %add3A_252 = arith.constant 5 : i32
      %add3A_253 = arith.addi %add3A_230, %add3A_252 : i32
      %sub3A_254 = arith.constant 1 : i32
      %sub3A_255 = arith.subi %add3A_253, %sub3A_254 : i32
      %mul3A_256 = arith.constant 128 : i32
      %mul3A_257 = arith.muli %sub3A_255, %mul3A_256 : i32
      %dma_start3A_258 = tpu.memref_slice %arg5[%mul3A_257] : memref<25600xi32, #tpu.memory_space<vmem>> -> memref<128xi32, #tpu.memory_space<vmem>>
      %dma_start3A_259 = arith.constant 0 : i32
      %dma_start3A_260 = arith.constant 0 : i32
      %dma_start3A_261 = tpu.memref_slice %arg2[%dma_start3A_259, %dma_start3A_260] : memref<100000x128xf32, #tpu.memory_space<hbm>> -> memref<100000x128xf32, #tpu.memory_space<hbm>>
      tpu.enqueue_indirect_dma source(%dma_start3A_261 : memref<100000x128xf32, #tpu.memory_space<hbm>>) target(%arg10 : memref<128x128xf32, #tpu.memory_space<vmem>>) offsets(%dma_start3A_258 : memref<128xi32, #tpu.memory_space<vmem>>) semaphore(%arg15 : memref<!tpu.dma_semaphore, #tpu.memory_space<semaphore_mem>>)
      %add3A_262 = arith.constant 1 : i32
      %add3A_263 = arith.addi %mul3A_228, %add3A_262 : i32
      %mul3A_264 = arith.constant 128 : i32
      %mul3A_265 = arith.muli %add3A_263, %mul3A_264 : i32
      %dma_wait3A_266 = tpu.memref_slice %arg5[%mul3A_265] : memref<25600xi32, #tpu.memory_space<vmem>> -> memref<128xi32, #tpu.memory_space<vmem>>
      %dma_wait3A_267 = arith.constant 0 : i32
      %dma_wait3A_268 = arith.constant 0 : i32
      %dma_wait3A_269 = tpu.memref_slice %arg2[%dma_wait3A_267, %dma_wait3A_268] : memref<100000x128xf32, #tpu.memory_space<hbm>> -> memref<100000x128xf32, #tpu.memory_space<hbm>>
      tpu.wait_indirect_dma semaphore(%arg12 : memref<!tpu.dma_semaphore, #tpu.memory_space<semaphore_mem>>) src(%dma_wait3A_269 : memref<100000x128xf32, #tpu.memory_space<hbm>>) dst(%arg7 : memref<128x128xf32, #tpu.memory_space<vmem>>)
      %mul3A_270 = arith.constant 128 : i32
      %mul3A_271 = arith.muli %add3A_263, %mul3A_270 : i32
      %add3A_272 = arith.addi %mul3A_2, %mul3A_271 : i32
      %dma_start3A_273 = arith.constant 0 : i32
      %dma_start3A_274 = tpu.memref_slice %arg4[%add3A_272, %dma_start3A_273] : memref<819200x128xf32, #tpu.memory_space<hbm>> -> memref<128x128xf32, #tpu.memory_space<hbm>>
      %dma_start3A_275 = arith.constant 0 : i32
      %dma_start3A_276 = tpu.memref_slice %arg4[%add3A_272, %dma_start3A_275] : memref<819200x128xf32, #tpu.memory_space<hbm>> -> memref<128x128xf32, #tpu.memory_space<hbm>>
      tpu.enqueue_dma source(%arg7 : memref<128x128xf32, #tpu.memory_space<vmem>>) target(%dma_start3A_276 : memref<128x128xf32, #tpu.memory_space<hbm>>) target_semaphore(%arg17 : memref<!tpu.dma_semaphore, #tpu.memory_space<semaphore_mem>>)
      %sub3A_277 = arith.constant 1 : i32
      %sub3A_278 = arith.subi %add3A_263, %sub3A_277 : i32
      %mul3A_279 = arith.constant 128 : i32
      %mul3A_280 = arith.muli %sub3A_278, %mul3A_279 : i32
      %add3A_281 = arith.addi %mul3A_2, %mul3A_280 : i32
      %dma_wait3A_282 = arith.constant 0 : i32
      %dma_wait3A_283 = tpu.memref_slice %arg4[%add3A_281, %dma_wait3A_282] : memref<819200x128xf32, #tpu.memory_space<hbm>> -> memref<128x128xf32, #tpu.memory_space<hbm>>
      %dma_wait3A_284 = arith.constant 0 : i32
      %dma_wait3A_285 = tpu.memref_slice %arg4[%add3A_281, %dma_wait3A_284] : memref<819200x128xf32, #tpu.memory_space<hbm>> -> memref<128x128xf32, #tpu.memory_space<hbm>>
      tpu.wait_dma2 semaphore(%arg16 : memref<!tpu.dma_semaphore, #tpu.memory_space<semaphore_mem>>) src(%arg6 : memref<128x128xf32, #tpu.memory_space<vmem>>) dst(%dma_wait3A_285 : memref<128x128xf32, #tpu.memory_space<hbm>>)
      %add3A_286 = arith.constant 5 : i32
      %add3A_287 = arith.addi %add3A_263, %add3A_286 : i32
      %sub3A_288 = arith.constant 1 : i32
      %sub3A_289 = arith.subi %add3A_287, %sub3A_288 : i32
      %mul3A_290 = arith.constant 128 : i32
      %mul3A_291 = arith.muli %sub3A_289, %mul3A_290 : i32
      %dma_start3A_292 = tpu.memref_slice %arg5[%mul3A_291] : memref<25600xi32, #tpu.memory_space<vmem>> -> memref<128xi32, #tpu.memory_space<vmem>>
      %dma_start3A_293 = arith.constant 0 : i32
      %dma_start3A_294 = arith.constant 0 : i32
      %dma_start3A_295 = tpu.memref_slice %arg2[%dma_start3A_293, %dma_start3A_294] : memref<100000x128xf32, #tpu.memory_space<hbm>> -> memref<100000x128xf32, #tpu.memory_space<hbm>>
      tpu.enqueue_indirect_dma source(%dma_start3A_295 : memref<100000x128xf32, #tpu.memory_space<hbm>>) target(%arg6 : memref<128x128xf32, #tpu.memory_space<vmem>>) offsets(%dma_start3A_292 : memref<128xi32, #tpu.memory_space<vmem>>) semaphore(%arg11 : memref<!tpu.dma_semaphore, #tpu.memory_space<semaphore_mem>>)
      %add3A_296 = arith.constant 2 : i32
      %add3A_297 = arith.addi %mul3A_228, %add3A_296 : i32
      %mul3A_298 = arith.constant 128 : i32
      %mul3A_299 = arith.muli %add3A_297, %mul3A_298 : i32
      %dma_wait3A_300 = tpu.memref_slice %arg5[%mul3A_299] : memref<25600xi32, #tpu.memory_space<vmem>> -> memref<128xi32, #tpu.memory_space<vmem>>
      %dma_wait3A_301 = arith.constant 0 : i32
      %dma_wait3A_302 = arith.constant 0 : i32
      %dma_wait3A_303 = tpu.memref_slice %arg2[%dma_wait3A_301, %dma_wait3A_302] : memref<100000x128xf32, #tpu.memory_space<hbm>> -> memref<100000x128xf32, #tpu.memory_space<hbm>>
      tpu.wait_indirect_dma semaphore(%arg13 : memref<!tpu.dma_semaphore, #tpu.memory_space<semaphore_mem>>) src(%dma_wait3A_303 : memref<100000x128xf32, #tpu.memory_space<hbm>>) dst(%arg8 : memref<128x128xf32, #tpu.memory_space<vmem>>)
      %mul3A_304 = arith.constant 128 : i32
      %mul3A_305 = arith.muli %add3A_297, %mul3A_304 : i32
      %add3A_306 = arith.addi %mul3A_2, %mul3A_305 : i32
      %dma_start3A_307 = arith.constant 0 : i32
      %dma_start3A_308 = tpu.memref_slice %arg4[%add3A_306, %dma_start3A_307] : memref<819200x128xf32, #tpu.memory_space<hbm>> -> memref<128x128xf32, #tpu.memory_space<hbm>>
      %dma_start3A_309 = arith.constant 0 : i32
      %dma_start3A_310 = tpu.memref_slice %arg4[%add3A_306, %dma_start3A_309] : memref<819200x128xf32, #tpu.memory_space<hbm>> -> memref<128x128xf32, #tpu.memory_space<hbm>>
      tpu.enqueue_dma source(%arg8 : memref<128x128xf32, #tpu.memory_space<vmem>>) target(%dma_start3A_310 : memref<128x128xf32, #tpu.memory_space<hbm>>) target_semaphore(%arg18 : memref<!tpu.dma_semaphore, #tpu.memory_space<semaphore_mem>>)
      %sub3A_311 = arith.constant 1 : i32
      %sub3A_312 = arith.subi %add3A_297, %sub3A_311 : i32
      %mul3A_313 = arith.constant 128 : i32
      %mul3A_314 = arith.muli %sub3A_312, %mul3A_313 : i32
      %add3A_315 = arith.addi %mul3A_2, %mul3A_314 : i32
      %dma_wait3A_316 = arith.constant 0 : i32
      %dma_wait3A_317 = tpu.memref_slice %arg4[%add3A_315, %dma_wait3A_316] : memref<819200x128xf32, #tpu.memory_space<hbm>> -> memref<128x128xf32, #tpu.memory_space<hbm>>
      %dma_wait3A_318 = arith.constant 0 : i32
      %dma_wait3A_319 = tpu.memref_slice %arg4[%add3A_315, %dma_wait3A_318] : memref<819200x128xf32, #tpu.memory_space<hbm>> -> memref<128x128xf32, #tpu.memory_space<hbm>>
      tpu.wait_dma2 semaphore(%arg17 : memref<!tpu.dma_semaphore, #tpu.memory_space<semaphore_mem>>) src(%arg7 : memref<128x128xf32, #tpu.memory_space<vmem>>) dst(%dma_wait3A_319 : memref<128x128xf32, #tpu.memory_space<hbm>>)
      %add3A_320 = arith.constant 5 : i32
      %add3A_321 = arith.addi %add3A_297, %add3A_320 : i32
      %sub3A_322 = arith.constant 1 : i32
      %sub3A_323 = arith.subi %add3A_321, %sub3A_322 : i32
      %mul3A_324 = arith.constant 128 : i32
      %mul3A_325 = arith.muli %sub3A_323, %mul3A_324 : i32
      %dma_start3A_326 = tpu.memref_slice %arg5[%mul3A_325] : memref<25600xi32, #tpu.memory_space<vmem>> -> memref<128xi32, #tpu.memory_space<vmem>>
      %dma_start3A_327 = arith.constant 0 : i32
      %dma_start3A_328 = arith.constant 0 : i32
      %dma_start3A_329 = tpu.memref_slice %arg2[%dma_start3A_327, %dma_start3A_328] : memref<100000x128xf32, #tpu.memory_space<hbm>> -> memref<100000x128xf32, #tpu.memory_space<hbm>>
      tpu.enqueue_indirect_dma source(%dma_start3A_329 : memref<100000x128xf32, #tpu.memory_space<hbm>>) target(%arg7 : memref<128x128xf32, #tpu.memory_space<vmem>>) offsets(%dma_start3A_326 : memref<128xi32, #tpu.memory_space<vmem>>) semaphore(%arg12 : memref<!tpu.dma_semaphore, #tpu.memory_space<semaphore_mem>>)
      %add3A_330 = arith.constant 3 : i32
      %add3A_331 = arith.addi %mul3A_228, %add3A_330 : i32
      %mul3A_332 = arith.constant 128 : i32
      %mul3A_333 = arith.muli %add3A_331, %mul3A_332 : i32
      %dma_wait3A_334 = tpu.memref_slice %arg5[%mul3A_333] : memref<25600xi32, #tpu.memory_space<vmem>> -> memref<128xi32, #tpu.memory_space<vmem>>
      %dma_wait3A_335 = arith.constant 0 : i32
      %dma_wait3A_336 = arith.constant 0 : i32
      %dma_wait3A_337 = tpu.memref_slice %arg2[%dma_wait3A_335, %dma_wait3A_336] : memref<100000x128xf32, #tpu.memory_space<hbm>> -> memref<100000x128xf32, #tpu.memory_space<hbm>>
      tpu.wait_indirect_dma semaphore(%arg14 : memref<!tpu.dma_semaphore, #tpu.memory_space<semaphore_mem>>) src(%dma_wait3A_337 : memref<100000x128xf32, #tpu.memory_space<hbm>>) dst(%arg9 : memref<128x128xf32, #tpu.memory_space<vmem>>)
      %mul3A_338 = arith.constant 128 : i32
      %mul3A_339 = arith.muli %add3A_331, %mul3A_338 : i32
      %add3A_340 = arith.addi %mul3A_2, %mul3A_339 : i32
      %dma_start3A_341 = arith.constant 0 : i32
      %dma_start3A_342 = tpu.memref_slice %arg4[%add3A_340, %dma_start3A_341] : memref<819200x128xf32, #tpu.memory_space<hbm>> -> memref<128x128xf32, #tpu.memory_space<hbm>>
      %dma_start3A_343 = arith.constant 0 : i32
      %dma_start3A_344 = tpu.memref_slice %arg4[%add3A_340, %dma_start3A_343] : memref<819200x128xf32, #tpu.memory_space<hbm>> -> memref<128x128xf32, #tpu.memory_space<hbm>>
      tpu.enqueue_dma source(%arg9 : memref<128x128xf32, #tpu.memory_space<vmem>>) target(%dma_start3A_344 : memref<128x128xf32, #tpu.memory_space<hbm>>) target_semaphore(%arg19 : memref<!tpu.dma_semaphore, #tpu.memory_space<semaphore_mem>>)
      %sub3A_345 = arith.constant 1 : i32
      %sub3A_346 = arith.subi %add3A_331, %sub3A_345 : i32
      %mul3A_347 = arith.constant 128 : i32
      %mul3A_348 = arith.muli %sub3A_346, %mul3A_347 : i32
      %add3A_349 = arith.addi %mul3A_2, %mul3A_348 : i32
      %dma_wait3A_350 = arith.constant 0 : i32
      %dma_wait3A_351 = tpu.memref_slice %arg4[%add3A_349, %dma_wait3A_350] : memref<819200x128xf32, #tpu.memory_space<hbm>> -> memref<128x128xf32, #tpu.memory_space<hbm>>
      %dma_wait3A_352 = arith.constant 0 : i32
      %dma_wait3A_353 = tpu.memref_slice %arg4[%add3A_349, %dma_wait3A_352] : memref<819200x128xf32, #tpu.memory_space<hbm>> -> memref<128x128xf32, #tpu.memory_space<hbm>>
      tpu.wait_dma2 semaphore(%arg18 : memref<!tpu.dma_semaphore, #tpu.memory_space<semaphore_mem>>) src(%arg8 : memref<128x128xf32, #tpu.memory_space<vmem>>) dst(%dma_wait3A_353 : memref<128x128xf32, #tpu.memory_space<hbm>>)
      %add3A_354 = arith.constant 5 : i32
      %add3A_355 = arith.addi %add3A_331, %add3A_354 : i32
      %sub3A_356 = arith.constant 1 : i32
      %sub3A_357 = arith.subi %add3A_355, %sub3A_356 : i32
      %mul3A_358 = arith.constant 128 : i32
      %mul3A_359 = arith.muli %sub3A_357, %mul3A_358 : i32
      %dma_start3A_360 = tpu.memref_slice %arg5[%mul3A_359] : memref<25600xi32, #tpu.memory_space<vmem>> -> memref<128xi32, #tpu.memory_space<vmem>>
      %dma_start3A_361 = arith.constant 0 : i32
      %dma_start3A_362 = arith.constant 0 : i32
      %dma_start3A_363 = tpu.memref_slice %arg2[%dma_start3A_361, %dma_start3A_362] : memref<100000x128xf32, #tpu.memory_space<hbm>> -> memref<100000x128xf32, #tpu.memory_space<hbm>>
      tpu.enqueue_indirect_dma source(%dma_start3A_363 : memref<100000x128xf32, #tpu.memory_space<hbm>>) target(%arg8 : memref<128x128xf32, #tpu.memory_space<vmem>>) offsets(%dma_start3A_360 : memref<128xi32, #tpu.memory_space<vmem>>) semaphore(%arg13 : memref<!tpu.dma_semaphore, #tpu.memory_space<semaphore_mem>>)
      %add3A_364 = arith.constant 4 : i32
      %add3A_365 = arith.addi %mul3A_228, %add3A_364 : i32
      %mul3A_366 = arith.constant 128 : i32
      %mul3A_367 = arith.muli %add3A_365, %mul3A_366 : i32
      %dma_wait3A_368 = tpu.memref_slice %arg5[%mul3A_367] : memref<25600xi32, #tpu.memory_space<vmem>> -> memref<128xi32, #tpu.memory_space<vmem>>
      %dma_wait3A_369 = arith.constant 0 : i32
      %dma_wait3A_370 = arith.constant 0 : i32
      %dma_wait3A_371 = tpu.memref_slice %arg2[%dma_wait3A_369, %dma_wait3A_370] : memref<100000x128xf32, #tpu.memory_space<hbm>> -> memref<100000x128xf32, #tpu.memory_space<hbm>>
      tpu.wait_indirect_dma semaphore(%arg15 : memref<!tpu.dma_semaphore, #tpu.memory_space<semaphore_mem>>) src(%dma_wait3A_371 : memref<100000x128xf32, #tpu.memory_space<hbm>>) dst(%arg10 : memref<128x128xf32, #tpu.memory_space<vmem>>)
      %mul3A_372 = arith.constant 128 : i32
      %mul3A_373 = arith.muli %add3A_365, %mul3A_372 : i32
      %add3A_374 = arith.addi %mul3A_2, %mul3A_373 : i32
      %dma_start3A_375 = arith.constant 0 : i32
      %dma_start3A_376 = tpu.memref_slice %arg4[%add3A_374, %dma_start3A_375] : memref<819200x128xf32, #tpu.memory_space<hbm>> -> memref<128x128xf32, #tpu.memory_space<hbm>>
      %dma_start3A_377 = arith.constant 0 : i32
      %dma_start3A_378 = tpu.memref_slice %arg4[%add3A_374, %dma_start3A_377] : memref<819200x128xf32, #tpu.memory_space<hbm>> -> memref<128x128xf32, #tpu.memory_space<hbm>>
      tpu.enqueue_dma source(%arg10 : memref<128x128xf32, #tpu.memory_space<vmem>>) target(%dma_start3A_378 : memref<128x128xf32, #tpu.memory_space<hbm>>) target_semaphore(%arg20 : memref<!tpu.dma_semaphore, #tpu.memory_space<semaphore_mem>>)
      %sub3A_379 = arith.constant 1 : i32
      %sub3A_380 = arith.subi %add3A_365, %sub3A_379 : i32
      %mul3A_381 = arith.constant 128 : i32
      %mul3A_382 = arith.muli %sub3A_380, %mul3A_381 : i32
      %add3A_383 = arith.addi %mul3A_2, %mul3A_382 : i32
      %dma_wait3A_384 = arith.constant 0 : i32
      %dma_wait3A_385 = tpu.memref_slice %arg4[%add3A_383, %dma_wait3A_384] : memref<819200x128xf32, #tpu.memory_space<hbm>> -> memref<128x128xf32, #tpu.memory_space<hbm>>
      %dma_wait3A_386 = arith.constant 0 : i32
      %dma_wait3A_387 = tpu.memref_slice %arg4[%add3A_383, %dma_wait3A_386] : memref<819200x128xf32, #tpu.memory_space<hbm>> -> memref<128x128xf32, #tpu.memory_space<hbm>>
      tpu.wait_dma2 semaphore(%arg19 : memref<!tpu.dma_semaphore, #tpu.memory_space<semaphore_mem>>) src(%arg9 : memref<128x128xf32, #tpu.memory_space<vmem>>) dst(%dma_wait3A_387 : memref<128x128xf32, #tpu.memory_space<hbm>>)
      %add3A_388 = arith.constant 5 : i32
      %add3A_389 = arith.addi %add3A_365, %add3A_388 : i32
      %sub3A_390 = arith.constant 1 : i32
      %sub3A_391 = arith.subi %add3A_389, %sub3A_390 : i32
      %mul3A_392 = arith.constant 128 : i32
      %mul3A_393 = arith.muli %sub3A_391, %mul3A_392 : i32
      %dma_start3A_394 = tpu.memref_slice %arg5[%mul3A_393] : memref<25600xi32, #tpu.memory_space<vmem>> -> memref<128xi32, #tpu.memory_space<vmem>>
      %dma_start3A_395 = arith.constant 0 : i32
      %dma_start3A_396 = arith.constant 0 : i32
      %dma_start3A_397 = tpu.memref_slice %arg2[%dma_start3A_395, %dma_start3A_396] : memref<100000x128xf32, #tpu.memory_space<hbm>> -> memref<100000x128xf32, #tpu.memory_space<hbm>>
      tpu.enqueue_indirect_dma source(%dma_start3A_397 : memref<100000x128xf32, #tpu.memory_space<hbm>>) target(%arg9 : memref<128x128xf32, #tpu.memory_space<vmem>>) offsets(%dma_start3A_394 : memref<128xi32, #tpu.memory_space<vmem>>) semaphore(%arg14 : memref<!tpu.dma_semaphore, #tpu.memory_space<semaphore_mem>>)
    }
    %scan3A_129 = arith.constant 38 : i32
    %dma_wait3A_130 = arith.constant 24960 : i32
    %dma_wait3A_131 = tpu.memref_slice %arg5[%dma_wait3A_130] : memref<25600xi32, #tpu.memory_space<vmem>> -> memref<128xi32, #tpu.memory_space<vmem>>
    %dma_wait3A_132 = arith.constant 0 : i32
    %dma_wait3A_133 = arith.constant 0 : i32
    %dma_wait3A_134 = tpu.memref_slice %arg2[%dma_wait3A_132, %dma_wait3A_133] : memref<100000x128xf32, #tpu.memory_space<hbm>> -> memref<100000x128xf32, #tpu.memory_space<hbm>>
    tpu.wait_indirect_dma semaphore(%arg11 : memref<!tpu.dma_semaphore, #tpu.memory_space<semaphore_mem>>) src(%dma_wait3A_134 : memref<100000x128xf32, #tpu.memory_space<hbm>>) dst(%arg6 : memref<128x128xf32, #tpu.memory_space<vmem>>)
    %add3A_135 = arith.constant 24960 : i32
    %add3A_136 = arith.addi %mul3A_2, %add3A_135 : i32
    %dma_start3A_137 = arith.constant 0 : i32
    %dma_start3A_138 = tpu.memref_slice %arg4[%add3A_136, %dma_start3A_137] : memref<819200x128xf32, #tpu.memory_space<hbm>> -> memref<128x128xf32, #tpu.memory_space<hbm>>
    %dma_start3A_139 = arith.constant 0 : i32
    %dma_start3A_140 = tpu.memref_slice %arg4[%add3A_136, %dma_start3A_139] : memref<819200x128xf32, #tpu.memory_space<hbm>> -> memref<128x128xf32, #tpu.memory_space<hbm>>
    tpu.enqueue_dma source(%arg6 : memref<128x128xf32, #tpu.memory_space<vmem>>) target(%dma_start3A_140 : memref<128x128xf32, #tpu.memory_space<hbm>>) target_semaphore(%arg16 : memref<!tpu.dma_semaphore, #tpu.memory_space<semaphore_mem>>)
    %add3A_141 = arith.constant 24832 : i32
    %add3A_142 = arith.addi %mul3A_2, %add3A_141 : i32
    %dma_wait3A_143 = arith.constant 0 : i32
    %dma_wait3A_144 = tpu.memref_slice %arg4[%add3A_142, %dma_wait3A_143] : memref<819200x128xf32, #tpu.memory_space<hbm>> -> memref<128x128xf32, #tpu.memory_space<hbm>>
    %dma_wait3A_145 = arith.constant 0 : i32
    %dma_wait3A_146 = tpu.memref_slice %arg4[%add3A_142, %dma_wait3A_145] : memref<819200x128xf32, #tpu.memory_space<hbm>> -> memref<128x128xf32, #tpu.memory_space<hbm>>
    tpu.wait_dma2 semaphore(%arg20 : memref<!tpu.dma_semaphore, #tpu.memory_space<semaphore_mem>>) src(%arg10 : memref<128x128xf32, #tpu.memory_space<vmem>>) dst(%dma_wait3A_146 : memref<128x128xf32, #tpu.memory_space<hbm>>)
    %dma_start3A_147 = arith.constant 25472 : i32
    %dma_start3A_148 = tpu.memref_slice %arg5[%dma_start3A_147] : memref<25600xi32, #tpu.memory_space<vmem>> -> memref<128xi32, #tpu.memory_space<vmem>>
    %dma_start3A_149 = arith.constant 0 : i32
    %dma_start3A_150 = arith.constant 0 : i32
    %dma_start3A_151 = tpu.memref_slice %arg2[%dma_start3A_149, %dma_start3A_150] : memref<100000x128xf32, #tpu.memory_space<hbm>> -> memref<100000x128xf32, #tpu.memory_space<hbm>>
    tpu.enqueue_indirect_dma source(%dma_start3A_151 : memref<100000x128xf32, #tpu.memory_space<hbm>>) target(%arg10 : memref<128x128xf32, #tpu.memory_space<vmem>>) offsets(%dma_start3A_148 : memref<128xi32, #tpu.memory_space<vmem>>) semaphore(%arg15 : memref<!tpu.dma_semaphore, #tpu.memory_space<semaphore_mem>>)
    %dma_wait3A_152 = arith.constant 25088 : i32
    %dma_wait3A_153 = tpu.memref_slice %arg5[%dma_wait3A_152] : memref<25600xi32, #tpu.memory_space<vmem>> -> memref<128xi32, #tpu.memory_space<vmem>>
    %dma_wait3A_154 = arith.constant 0 : i32
    %dma_wait3A_155 = arith.constant 0 : i32
    %dma_wait3A_156 = tpu.memref_slice %arg2[%dma_wait3A_154, %dma_wait3A_155] : memref<100000x128xf32, #tpu.memory_space<hbm>> -> memref<100000x128xf32, #tpu.memory_space<hbm>>
    tpu.wait_indirect_dma semaphore(%arg12 : memref<!tpu.dma_semaphore, #tpu.memory_space<semaphore_mem>>) src(%dma_wait3A_156 : memref<100000x128xf32, #tpu.memory_space<hbm>>) dst(%arg7 : memref<128x128xf32, #tpu.memory_space<vmem>>)
    %add3A_157 = arith.constant 25088 : i32
    %add3A_158 = arith.addi %mul3A_2, %add3A_157 : i32
    %dma_start3A_159 = arith.constant 0 : i32
    %dma_start3A_160 = tpu.memref_slice %arg4[%add3A_158, %dma_start3A_159] : memref<819200x128xf32, #tpu.memory_space<hbm>> -> memref<128x128xf32, #tpu.memory_space<hbm>>
    %dma_start3A_161 = arith.constant 0 : i32
    %dma_start3A_162 = tpu.memref_slice %arg4[%add3A_158, %dma_start3A_161] : memref<819200x128xf32, #tpu.memory_space<hbm>> -> memref<128x128xf32, #tpu.memory_space<hbm>>
    tpu.enqueue_dma source(%arg7 : memref<128x128xf32, #tpu.memory_space<vmem>>) target(%dma_start3A_162 : memref<128x128xf32, #tpu.memory_space<hbm>>) target_semaphore(%arg17 : memref<!tpu.dma_semaphore, #tpu.memory_space<semaphore_mem>>)
    %add3A_163 = arith.constant 24960 : i32
    %add3A_164 = arith.addi %mul3A_2, %add3A_163 : i32
    %dma_wait3A_165 = arith.constant 0 : i32
    %dma_wait3A_166 = tpu.memref_slice %arg4[%add3A_164, %dma_wait3A_165] : memref<819200x128xf32, #tpu.memory_space<hbm>> -> memref<128x128xf32, #tpu.memory_space<hbm>>
    %dma_wait3A_167 = arith.constant 0 : i32
    %dma_wait3A_168 = tpu.memref_slice %arg4[%add3A_164, %dma_wait3A_167] : memref<819200x128xf32, #tpu.memory_space<hbm>> -> memref<128x128xf32, #tpu.memory_space<hbm>>
    tpu.wait_dma2 semaphore(%arg16 : memref<!tpu.dma_semaphore, #tpu.memory_space<semaphore_mem>>) src(%arg6 : memref<128x128xf32, #tpu.memory_space<vmem>>) dst(%dma_wait3A_168 : memref<128x128xf32, #tpu.memory_space<hbm>>)
    %dma_wait3A_169 = arith.constant 25216 : i32
    %dma_wait3A_170 = tpu.memref_slice %arg5[%dma_wait3A_169] : memref<25600xi32, #tpu.memory_space<vmem>> -> memref<128xi32, #tpu.memory_space<vmem>>
    %dma_wait3A_171 = arith.constant 0 : i32
    %dma_wait3A_172 = arith.constant 0 : i32
    %dma_wait3A_173 = tpu.memref_slice %arg2[%dma_wait3A_171, %dma_wait3A_172] : memref<100000x128xf32, #tpu.memory_space<hbm>> -> memref<100000x128xf32, #tpu.memory_space<hbm>>
    tpu.wait_indirect_dma semaphore(%arg13 : memref<!tpu.dma_semaphore, #tpu.memory_space<semaphore_mem>>) src(%dma_wait3A_173 : memref<100000x128xf32, #tpu.memory_space<hbm>>) dst(%arg8 : memref<128x128xf32, #tpu.memory_space<vmem>>)
    %add3A_174 = arith.constant 25216 : i32
    %add3A_175 = arith.addi %mul3A_2, %add3A_174 : i32
    %dma_start3A_176 = arith.constant 0 : i32
    %dma_start3A_177 = tpu.memref_slice %arg4[%add3A_175, %dma_start3A_176] : memref<819200x128xf32, #tpu.memory_space<hbm>> -> memref<128x128xf32, #tpu.memory_space<hbm>>
    %dma_start3A_178 = arith.constant 0 : i32
    %dma_start3A_179 = tpu.memref_slice %arg4[%add3A_175, %dma_start3A_178] : memref<819200x128xf32, #tpu.memory_space<hbm>> -> memref<128x128xf32, #tpu.memory_space<hbm>>
    tpu.enqueue_dma source(%arg8 : memref<128x128xf32, #tpu.memory_space<vmem>>) target(%dma_start3A_179 : memref<128x128xf32, #tpu.memory_space<hbm>>) target_semaphore(%arg18 : memref<!tpu.dma_semaphore, #tpu.memory_space<semaphore_mem>>)
    %add3A_180 = arith.constant 25088 : i32
    %add3A_181 = arith.addi %mul3A_2, %add3A_180 : i32
    %dma_wait3A_182 = arith.constant 0 : i32
    %dma_wait3A_183 = tpu.memref_slice %arg4[%add3A_181, %dma_wait3A_182] : memref<819200x128xf32, #tpu.memory_space<hbm>> -> memref<128x128xf32, #tpu.memory_space<hbm>>
    %dma_wait3A_184 = arith.constant 0 : i32
    %dma_wait3A_185 = tpu.memref_slice %arg4[%add3A_181, %dma_wait3A_184] : memref<819200x128xf32, #tpu.memory_space<hbm>> -> memref<128x128xf32, #tpu.memory_space<hbm>>
    tpu.wait_dma2 semaphore(%arg17 : memref<!tpu.dma_semaphore, #tpu.memory_space<semaphore_mem>>) src(%arg7 : memref<128x128xf32, #tpu.memory_space<vmem>>) dst(%dma_wait3A_185 : memref<128x128xf32, #tpu.memory_space<hbm>>)
    %dma_wait3A_186 = arith.constant 25344 : i32
    %dma_wait3A_187 = tpu.memref_slice %arg5[%dma_wait3A_186] : memref<25600xi32, #tpu.memory_space<vmem>> -> memref<128xi32, #tpu.memory_space<vmem>>
    %dma_wait3A_188 = arith.constant 0 : i32
    %dma_wait3A_189 = arith.constant 0 : i32
    %dma_wait3A_190 = tpu.memref_slice %arg2[%dma_wait3A_188, %dma_wait3A_189] : memref<100000x128xf32, #tpu.memory_space<hbm>> -> memref<100000x128xf32, #tpu.memory_space<hbm>>
    tpu.wait_indirect_dma semaphore(%arg14 : memref<!tpu.dma_semaphore, #tpu.memory_space<semaphore_mem>>) src(%dma_wait3A_190 : memref<100000x128xf32, #tpu.memory_space<hbm>>) dst(%arg9 : memref<128x128xf32, #tpu.memory_space<vmem>>)
    %add3A_191 = arith.constant 25344 : i32
    %add3A_192 = arith.addi %mul3A_2, %add3A_191 : i32
    %dma_start3A_193 = arith.constant 0 : i32
    %dma_start3A_194 = tpu.memref_slice %arg4[%add3A_192, %dma_start3A_193] : memref<819200x128xf32, #tpu.memory_space<hbm>> -> memref<128x128xf32, #tpu.memory_space<hbm>>
    %dma_start3A_195 = arith.constant 0 : i32
    %dma_start3A_196 = tpu.memref_slice %arg4[%add3A_192, %dma_start3A_195] : memref<819200x128xf32, #tpu.memory_space<hbm>> -> memref<128x128xf32, #tpu.memory_space<hbm>>
    tpu.enqueue_dma source(%arg9 : memref<128x128xf32, #tpu.memory_space<vmem>>) target(%dma_start3A_196 : memref<128x128xf32, #tpu.memory_space<hbm>>) target_semaphore(%arg19 : memref<!tpu.dma_semaphore, #tpu.memory_space<semaphore_mem>>)
    %add3A_197 = arith.constant 25216 : i32
    %add3A_198 = arith.addi %mul3A_2, %add3A_197 : i32
    %dma_wait3A_199 = arith.constant 0 : i32
    %dma_wait3A_200 = tpu.memref_slice %arg4[%add3A_198, %dma_wait3A_199] : memref<819200x128xf32, #tpu.memory_space<hbm>> -> memref<128x128xf32, #tpu.memory_space<hbm>>
    %dma_wait3A_201 = arith.constant 0 : i32
    %dma_wait3A_202 = tpu.memref_slice %arg4[%add3A_198, %dma_wait3A_201] : memref<819200x128xf32, #tpu.memory_space<hbm>> -> memref<128x128xf32, #tpu.memory_space<hbm>>
    tpu.wait_dma2 semaphore(%arg18 : memref<!tpu.dma_semaphore, #tpu.memory_space<semaphore_mem>>) src(%arg8 : memref<128x128xf32, #tpu.memory_space<vmem>>) dst(%dma_wait3A_202 : memref<128x128xf32, #tpu.memory_space<hbm>>)
    %dma_wait3A_203 = arith.constant 25472 : i32
    %dma_wait3A_204 = tpu.memref_slice %arg5[%dma_wait3A_203] : memref<25600xi32, #tpu.memory_space<vmem>> -> memref<128xi32, #tpu.memory_space<vmem>>
    %dma_wait3A_205 = arith.constant 0 : i32
    %dma_wait3A_206 = arith.constant 0 : i32
    %dma_wait3A_207 = tpu.memref_slice %arg2[%dma_wait3A_205, %dma_wait3A_206] : memref<100000x128xf32, #tpu.memory_space<hbm>> -> memref<100000x128xf32, #tpu.memory_space<hbm>>
    tpu.wait_indirect_dma semaphore(%arg15 : memref<!tpu.dma_semaphore, #tpu.memory_space<semaphore_mem>>) src(%dma_wait3A_207 : memref<100000x128xf32, #tpu.memory_space<hbm>>) dst(%arg10 : memref<128x128xf32, #tpu.memory_space<vmem>>)
    %add3A_208 = arith.constant 25472 : i32
    %add3A_209 = arith.addi %mul3A_2, %add3A_208 : i32
    %dma_start3A_210 = arith.constant 0 : i32
    %dma_start3A_211 = tpu.memref_slice %arg4[%add3A_209, %dma_start3A_210] : memref<819200x128xf32, #tpu.memory_space<hbm>> -> memref<128x128xf32, #tpu.memory_space<hbm>>
    %dma_start3A_212 = arith.constant 0 : i32
    %dma_start3A_213 = tpu.memref_slice %arg4[%add3A_209, %dma_start3A_212] : memref<819200x128xf32, #tpu.memory_space<hbm>> -> memref<128x128xf32, #tpu.memory_space<hbm>>
    tpu.enqueue_dma source(%arg10 : memref<128x128xf32, #tpu.memory_space<vmem>>) target(%dma_start3A_213 : memref<128x128xf32, #tpu.memory_space<hbm>>) target_semaphore(%arg20 : memref<!tpu.dma_semaphore, #tpu.memory_space<semaphore_mem>>)
    %add3A_214 = arith.constant 25344 : i32
    %add3A_215 = arith.addi %mul3A_2, %add3A_214 : i32
    %dma_wait3A_216 = arith.constant 0 : i32
    %dma_wait3A_217 = tpu.memref_slice %arg4[%add3A_215, %dma_wait3A_216] : memref<819200x128xf32, #tpu.memory_space<hbm>> -> memref<128x128xf32, #tpu.memory_space<hbm>>
    %dma_wait3A_218 = arith.constant 0 : i32
    %dma_wait3A_219 = tpu.memref_slice %arg4[%add3A_215, %dma_wait3A_218] : memref<819200x128xf32, #tpu.memory_space<hbm>> -> memref<128x128xf32, #tpu.memory_space<hbm>>
    tpu.wait_dma2 semaphore(%arg19 : memref<!tpu.dma_semaphore, #tpu.memory_space<semaphore_mem>>) src(%arg9 : memref<128x128xf32, #tpu.memory_space<vmem>>) dst(%dma_wait3A_219 : memref<128x128xf32, #tpu.memory_space<hbm>>)
    %add3A_220 = arith.constant 25472 : i32
    %add3A_221 = arith.addi %mul3A_2, %add3A_220 : i32
    %dma_wait3A_222 = arith.constant 0 : i32
    %dma_wait3A_223 = tpu.memref_slice %arg4[%add3A_221, %dma_wait3A_222] : memref<819200x128xf32, #tpu.memory_space<hbm>> -> memref<128x128xf32, #tpu.memory_space<hbm>>
    %dma_wait3A_224 = arith.constant 0 : i32
    %dma_wait3A_225 = tpu.memref_slice %arg4[%add3A_221, %dma_wait3A_224] : memref<819200x128xf32, #tpu.memory_space<hbm>> -> memref<128x128xf32, #tpu.memory_space<hbm>>
    tpu.wait_dma2 semaphore(%arg20 : memref<!tpu.dma_semaphore, #tpu.memory_space<semaphore_mem>>) src(%arg10 : memref<128x128xf32, #tpu.memory_space<vmem>>) dst(%dma_wait3A_225 : memref<128x128xf32, #tpu.memory_space<hbm>>)
    return
  }
}

</mosaic_0001>

<sc_bundles>
// kernel: kernel.3.cloned.1.call-start
scs
__scs_entry_jumppad:
0x0: {  	(pc) =	sbr.rel $0x88, $3  }
0x1: {  	(tag) =	ssettag $0x0;
	lr =	simm.s32 $0x1  }
0x2: {  	[smem:$0x3F9F] =	sst lr;
	_ =	strace $0xD0000000  }
0x3: {  	_ = 	snop  }
0x4: {  	_ = 	snop  }
0x5: {  	_ = 	snop  }
0x6: {  	_ = 	snop  }
0x7: {  	_ = 	snop  }
__scs_overlays_trampoline_lowered:
0x8: {  	[smem:$0x3FAE] =	sst s0  }
0x9: {  	[smem:$0x3FAF] =	sst s1  }
0xa: {  	[smem:$0x3FB0] =	sst s2  }
0xb: {  	[smem:$0x3FB1] =	sst s3  }
0xc: {  	[smem:$0x3FB2] =	sst s4  }
0xd: {  	[smem:$0x3FB3] =	sst s5  }
0xe: {  	[smem:$0x3FB4] =	sst s6  }
0xf: {  	[smem:$0x3FB5] =	sst s7  }
0x10: {  	[smem:$0x3FB6] =	sst s8  }
0x11: {  	[smem:$0x3FB7] =	sst s9;
	s0 =	simm.s32 @!p0 $0x0  }
0x12: {  	s1 =	sld [smem:$0x3F9D];
	s0 =	simm.s32 @p0 $0x1  }
0x13: {  	[smem:$0x3FB8] =	sst s0;
	s0 =	simm.s32 @!p1 $0x0  }
0x14: {  	s2 =	sld [smem:$0x3F9C];
	s0 =	simm.s32 @p1 $0x1  }
0x15: {  	[smem:$0x3FB9] =	sst s0;
	s0 =	simm.s32 @!p2 $0x0  }
0x16: {  	s3 =	sld [smem:$0x3FDB];
	s0 =	simm.s32 @p2 $0x1  }
0x17: {  	s4 =	simm.s32 $0x1BF5;
	[smem:$0x3FBB] =	sst s0  }
0x18: {  	s0 =	sld [smem:$0x3F9E];
	_ =	swait.ge [sflag:s4], $0x0  }
0x19: {  	s7 =	sld [smem:$0x3F9F]  }
0x1a: {  	s8 =	sadd.s32 $0xFFFFE003, lr  }
0x1b: {  	s9 =	sadd.s32 $0xFFFFFEF7, lr;
	s5 =	simm.s32 $0xFFFFFFFF;
	p2 =	slt.u32 s8, $0xFFFFF086  }
0x1c: {  	p1 =	slt.u32 s9, $0xF7A;
	s5 =	simm.s32 @!p2 $0x0  }
0x1d: {  	s5 =	simm.s32 @p1 $0x1;
	p0 =	seq.s32 s7, s2  }
0x1e: {  	s7 =	smul.u32 @!p0 $0xF7A, s2;
	p2 =	seq.s32 @!p0 s5, $0x0  }
0x1f: {  	s9 =	smul.u32 $0xF7A, s1;
	s8 =	simm.s32 @!p0 $0x1BF5;
	p2 =	por !p2, p0  }
0x20: {  	[sflag:s8] =	ssyncset.s32 @!p0 $0xFFFFF086;
	s6 =	sadd.s32 @!p0 s3, s7;
	s7 =	simm.s32 @!p0 $0x108  }
0x21: {  	s3 =	sadd.s32 s3, s9;
	s6 =	sadd.s32 @!p0 $0x88, s6;
	s7 =	simm.s32 @p2 $0x1082  }
0x22: {  	[simem:s7], [sflag:s8] =	dma.local @!p0 [hbm:s6], $0xF7A  }
0x23: {  	s9 =	sor.u32 $0xD0000000, s2;
	s6 =	simm.s32 $0x108;
	_ =	swait.ge @!p0 [sflag:s8], $0x0  }
0x24: {  	s3 =	sadd.s32 $0x88, s3;
	s6 =	simm.s32 @!p1 $0x1082;
	[sflag:s4] =	ssyncset.s32 $0xFFFFF086  }
0x25: {  	[simem:s6], [sflag:s4] =	dma.local [hbm:s3], $0xF7A  }
0x26: {  	[smem:$0x3F9F] =	sst s1;
	(tag) =	ssettag s2;
	_ =	strace s9  }
0x27: {  	s1 =	sld [smem:$0x3FAF]  }
0x28: {  	s2 =	sld [smem:$0x3FB0]  }
0x29: {  	s4 =	sld [smem:$0x3FB2]  }
0x2a: {  	p0 =	seq.s32 s5, $0x0;
	s5 =	sld [smem:$0x3FB3]  }
0x2b: {  	s6 =	sld [smem:$0x3FB4]  }
0x2c: {  	s7 =	sld [smem:$0x3FB5]  }
0x2d: {  	s3 =	simm.s32 $0x108;
	s8 =	sld [smem:$0x3FB6]  }
0x2e: {  	s3 =	simm.s32 @!p0 $0x1082;
	s9 =	sld [smem:$0x3FB7]  }
0x2f: {  	lr =	sadd.s32 s0, s3;
	s0 =	sld [smem:$0x3FAE]  }
0x30: {  	s3 =	sld [smem:$0x3FB1]  }
0x31: {  	[smem:$0x3FBA] =	sst s10  }
0x32: {  	s10 =	sld [smem:$0x3FB8];
	_ =	sdelay $0x3  }
0x33: {  	p0 =	seq.s32 s10, $0x1;
	s10 =	sld [smem:$0x3FBA];
	_ =	sdelay $0x3  }
0x34: {  	[smem:$0x3FBA] =	sst s10  }
0x35: {  	s10 =	sld [smem:$0x3FB9];
	_ =	sdelay $0x3  }
0x36: {  	p1 =	seq.s32 s10, $0x1;
	s10 =	sld [smem:$0x3FBA];
	_ =	sdelay $0x3  }
0x37: {  	[smem:$0x3FBA] =	sst s10  }
0x38: {  	s10 =	sld [smem:$0x3FBB]  }
0x39: {  	_ = 	snop;
	(pc) =	sbr.ind lr, $3  }
0x3a: {  	_ = 	snop  }
0x3b: {  	_ = 	snop  }
0x3c: {  	p2 =	seq.s32 s10, $0x1;
	s10 =	sld [smem:$0x3FBA]  }
0x3d: {  	_ =	shalt  }
0x3e: {  	_ =	shalt  }
0x3f: {  	_ =	shalt  }
0x40: {  	_ =	shalt  }
0x41: {  	_ =	shalt  }
0x42: {  	_ =	shalt  }
0x43: {  	_ =	shalt  }
0x44: {  	_ =	shalt  }
0x45: {  	_ =	shalt  }
0x46: {  	_ =	shalt  }
0x47: {  	_ =	shalt  }
0x48: {  	_ =	shalt  }
0x49: {  	_ =	shalt  }
0x4a: {  	_ =	shalt  }
0x4b: {  	_ =	shalt  }
0x4c: {  	_ =	shalt  }
0x4d: {  	_ =	shalt  }
0x4e: {  	_ =	shalt  }
0x4f: {  	_ =	shalt  }
0x50: {  	_ =	shalt  }
0x51: {  	_ =	shalt  }
0x52: {  	_ =	shalt  }
0x53: {  	_ =	shalt  }
0x54: {  	_ =	shalt  }
0x55: {  	_ =	shalt  }
0x56: {  	_ =	shalt  }
0x57: {  	_ =	shalt  }
0x58: {  	_ =	shalt  }
0x59: {  	_ =	shalt  }
0x5a: {  	_ =	shalt  }
0x5b: {  	_ =	shalt  }
0x5c: {  	_ =	shalt  }
0x5d: {  	_ =	shalt  }
0x5e: {  	_ =	shalt  }
0x5f: {  	_ =	shalt  }
0x60: {  	_ =	shalt  }
0x61: {  	_ =	shalt  }
0x62: {  	_ =	shalt  }
0x63: {  	_ =	shalt  }
0x64: {  	_ =	shalt  }
0x65: {  	_ =	shalt  }
0x66: {  	_ =	shalt  }
0x67: {  	_ =	shalt  }
0x68: {  	_ =	shalt  }
0x69: {  	_ =	shalt  }
0x6a: {  	_ =	shalt  }
0x6b: {  	_ =	shalt  }
0x6c: {  	_ =	shalt  }
0x6d: {  	_ =	shalt  }
0x6e: {  	_ =	shalt  }
0x6f: {  	_ =	shalt  }
0x70: {  	_ =	shalt  }
0x71: {  	_ =	shalt  }
0x72: {  	_ =	shalt  }
0x73: {  	_ =	shalt  }
0x74: {  	_ =	shalt  }
0x75: {  	_ =	shalt  }
0x76: {  	_ =	shalt  }
0x77: {  	_ =	shalt  }
0x78: {  	_ =	shalt  }
0x79: {  	_ =	shalt  }
0x7a: {  	_ =	shalt  }
0x7b: {  	_ =	shalt  }
0x7c: {  	_ =	shalt  }
0x7d: {  	_ =	shalt  }
0x7e: {  	_ =	shalt  }
0x7f: {  	_ =	shalt  }
0x80: {  	_ =	shalt  }
0x81: {  	_ =	shalt  }
0x82: {  	_ =	shalt  }
0x83: {  	_ =	shalt  }
0x84: {  	_ =	shalt  }
0x85: {  	_ =	shalt  }
0x86: {  	_ =	shalt  }
0x87: {  	_ =	shalt  }
.Lfunc_end0:
.L_simem_size_0:
called_computation_lowered:
.L_overlay_start_0:
0x88: {  	s2 =	sld [smem:$0x3FD9]  }
0x89: {  	s3 =	sld [smem:$0x3FFE];
	_ =	sdelay $0x1  }
0x8a: {  	s1 =	srdreg.scid  }
0x8b: {  	s0 =	sand.u32 $0x1, s1  }
0x8c: {  	s17 =	sshll.u32 s0, $0xA;
	s2 =	sadd.s32 s3, s2  }
0x8d: {  	s2 =	sadd.s32 s2, s17  }
0x8e: {  	[smem:$0x3FC6] =	sst s2  }
0x8f: {  	_ = 	snop  }
0x90: {  	s2 =	sld [smem:$0x3FC8]  }
0x91: {  	s18 =	sld [smem:$0x3FD0];
	(tm) =	ssettm $0x1  }
0x92: {  	s4 =	sld [smem:$0x3FFB];
	_ =	sdelay $0x3  }
0x93: {  	_ =	strace s4  }
0x94: {  	s4 =	sld [smem:$0x3FFC];
	_ =	sdelay $0x3  }
0x95: {  	_ =	strace s4  }
0x96: {  	s4 =	sld [smem:$0x3FFD];
	_ =	sdelay $0x3  }
0x97: {  	_ =	strace s4  }
0x98: {  	_ =	strace $0x8FFFFFFF  }
0x99: {  	s19 =	sld [smem:$0x3FDB];
	_ =	sdelay $0x1  }
0x9a: {  	s5 =	simm.s32 $_scs_section_size  }
0x9b: {  	s6 =	simm.s32 $_size__tile_overlayer_lowered;
	s7 =	simm.s32 $_tile_overlayer_lowered  }
0x9c: {  	s22 =	simm.s32 $0x1BFF;
	s21 =	sshll.u32 s7, $0x1;
	s4 =	sadd.s32 s5, s19  }
0x9d: {  	s8 =	simm.s32 $0x0;
	s20 =	sshll.u32 s6, $0x1;
	s6 =	sadd.s32 s21, s4  }
0x9e: {  	[timem:s8], [sflag:s22] =	dma.local [hbm:s6], s20  }
0x9f: {  	_ =	swait.ge [sflag:s22], s20  }
0xa0: {  	s5 =	ssub.s32 $0x0, s20;
	[sflag:s22] =	ssyncset.done $0x0  }
0xa1: {  	[sflag:s22] =	ssyncadd.s32 s5;
	_ =	sdelay $0x1  }
0xa2: {  	s23 =	simm.s32 $0x1B8B  }
0xa3: {  	_ =	swait.ge [sflag:s23], $0x1  }
0xa4: {  	[sflag:s23] =	ssyncset.done $0x0  }
0xa5: {  	s25 =	simm.s32 $0x1B8E;
	s24 =	sld [smem:$0x3FFE];
	[sflag:s23] =	ssyncadd.s32 $0xFFFFFFFF  }
0xa6: {  	s26 =	simm.s32 $execute0_lowered;
	[smem:$0x3FD2] =	sst s25  }
0xa7: {  	s6 =	sshll.u32 s26, $0x1;
	_ =	strace $0x80000046;
	[dreg:$0x1] =	wrdreg $0xFFFFFFFF  }
0xa8: {  	s28 =	simm.s32 $_size_execute0_lowered;
	s4 =	sadd.s32 s4, s6;
	[dreg:$0x0] =	wrdreg $0x0  }
0xa9: {  	s6 =	sshll.u32 s28, $0x1;
	[dreg:$0x2] =	wrdreg s4  }
0xaa: {  	[dreg:$0x3] =	wrdreg s6  }
0xab: {  	[dreg:$0x4] =	wrdreg $0xC0  }
0xac: {  	_ =	task [dreg:s8], $0x5FFFF  }
0xad: {  	[dreg:$0x1] =	wrdreg $0xFFFFFFFF  }
0xae: {  	[dreg:$0x0] =	wrdreg $0x60  }
0xaf: {  	[dreg:$0x2] =	wrdreg s2  }
0xb0: {  	[dreg:$0x3] =	wrdreg s24  }
0xb1: {  	[dreg:$0x4] =	wrdreg s18  }
0xb2: {  	[dreg:$0x5] =	wrdreg $0x9  }
0xb3: {  	_ =	task.clear_ibuf [dreg:s8], $0x6FFFF;
	_ =	strace $0x90000046  }
0xb4: {  	s29 =	simm.s32 $0x9;
	_ =	strace $0x80000048  }
0xb5: {  	_ =	swait.ge [sflag:s29], $0x1  }
0xb6: {  	[sflag:s29] =	ssyncadd.s32 $0xFFFFFFFF  }
0xb7: {  	_ =	strace $0x90000048  }
0xb8: {  	_ =	sfence  }
0xb9: {  	s30 =	sld [smem:$0x0];
	_ =	sdelay $0x2  }
0xba: {  	s31 =	sshll.u32 s1, $0xD;
	s1 =	sshrl.u32 s1, $0x2  }
0xbb: {  	s3 =	sand.u32 $0x4000, s31;
	s1 =	sadd.s32 s1, s30  }
0xbc: {  	s0 =	sor.u32 s3, s0;
	s1 =	sshll.u32 s1, $0x11  }
0xbd: {  	s0 =	sor.u32 s1, s0  }
0xbe: {  	s0 =	sadd.s32 $0x8F2B, s0  }
0xbf: {  	[sflag:s0] =	ssyncadd.remote.s32 $0x1  }
0xc0: {  	_ =	sfence.sel $0xFFFF  }
0xc1: {  	[dreg:$0x0] =	wrdreg $0xFFFFFFFF;
	(pc) =	sbr.abs _section_cstart, $3  }
0xc2: {  	[dreg:$0x1] =	wrdreg $0xFFFFFFFF  }
0xc3: {  	_ =	task.clear_ibuf [dreg:s8], $0x2FFFF;
	_ =	strace $0x9FFFFFFF  }
0xc4: {  	(tm) =	ssettm $0x7FFFFFFF  }
0xc5: {  	_ =	shalt  }
tec
execute0_lowered:
.L_overlay_start_1:
0x0: {  	(tag) =	ssettag $0x1  }
0x1: {  	s1 =	rddreg [dreg:$0x0]  }
0x2: {  	s0 =	srdreg.scid;
	s4 =	rddreg [dreg:$0x1]  }
0x3: {  	s10 =	stileid.u32;
	s5 =	rddreg [dreg:$0x2]  }
0x4: {  	s3 =	simm.s32 $0x0;
	s17 =	simm.s32 $0xB;
	s18 =	simm.s32 $0x80  }
0x5: {  	s19 =	simm.s32 $0x6400;
	s0 =	sand.u32 $0x1, s0;
	s2 =	sshll.u32 s10, $0x1  }
0x6: {  	s28 =	simm.s32 $0x1;
	s25 =	smul.u32 $0xC8000, s10;
	s2 =	sor.u32 s0, s2  }
0x7: {  	s29 =	simm.s32 $0x2;
	s30 =	simm.s32 $0x6;
	s6 =	smul.u32 $0x6400, s2  }
0x8: {  	s31 =	simm.s32 $0x9;
	s8 =	ssub.s32 $0x2, s0;
	s7 =	smul.u32 $0x64000, s2  }
0x9: {  	[smem:$0x7FF] =	sst s3;
	s9 =	sshrl.u32 s8, $0x1;
	s2 =	smul.u32 $0x320000, s2  }
0xa: {  	_ =	strace $0x80000047;
	s0 =	smul.u32 $0x64000, s0;
	s20 =	ssub.s32 s8, s9  }
0xb: {  	s6 =	sshrl.u32 s6, $0x3;
	s2 =	sshrl.u32 s2, $0x3;
	s15 =	smax.u32 s20, $0x1  }
0xc: {  	s20 =	simm.s32 $0xA400;
	s6 =	sadd.s32 s6, s4;
	s4 =	sadd.s32 s5, s7  }
0xd: {  	s2 =	sadd.s32 s5, s2;
	s5 =	sadd.s32 s25, s5;
	s25 =	simm.s32 $0x8  }
0xe: {  	s6 =	sadd.s32 $0x400, s6;
	s21 =	sadd.s32 $0x800, s4;
	s22 =	sadd.s32 $0x1000, s4  }
0xf: {  	s23 =	sadd.s32 $0x1800, s4;
	s24 =	sadd.s32 $0x2000, s4;
	[dreg:$0x4] =	wrdreg s6  }
0x10: {  	s26 =	sadd.s32 $0x61800, s2;
	s11 =	sadd.s32 $0x62000, s2;
	[dreg:$0x5] =	wrdreg s21  }
0x11: {  	s12 =	sadd.s32 $0x62800, s2;
	s13 =	sadd.s32 $0x63000, s2;
	[dreg:$0x6] =	wrdreg s22  }
0x12: {  	s14 =	sadd.s32 $0x63800, s2;
	s0 =	sadd.s32 s0, s5;
	[dreg:$0x7] =	wrdreg s23  }
0x13: {  	s2 =	simm.s32 $0x3;
	s5 =	simm.s32 $0xA;
	[dreg:$0x8] =	wrdreg s24  }
0x14: {  	[dreg:$0x9] =	wrdreg s26;
	s16 =	sadd.s32 $0x4800, s0;
	s22 =	simm.s32 $0xE400  }
0x15: {  	s24 =	simm.s32 $0x12400;
	s26 =	simm.s32 $0x16400;
	s0 =	simm.s32 $0x7  }
0x16: {  	s23 =	simm.s32 $0x4;
	s21 =	simm.s32 $0x5;
	s6 =	simm.s32 $0x0  }
.LBB2_1:
0x17: {  	s7 =	rddreg [dreg:$0x4]  }
0x18: {  	[tilespmem:s3], [sflag:$0xB] =	stream.linear.gather [hbm4b:s7+s3], $0x6400, $0x38;
	[tilespmem:$0x1A400] =	vst v63  }
0x19: {  	_ =	swait.ge [sflag:s17], $0x6400  }
0x1a: {  	[sflag:s17] =	ssyncset.done $0x0  }
0x1b: {  	[sflag:s17] =	ssyncadd.s32 $0xFFFF9C00  }
0x1c: {  	[tilespmem:s19], [sflag:$0x1] =	stream.indirect.gather [hbm4b:s1+s18], $0x80, s3, s18, $0xb8;
	[tilespmem:$0x1A400] =	vst v63  }
0x1d: {  	_ = 	snop  }
0x1e: {  	[tilespmem:s20], [sflag:$0x2] =	stream.indirect.gather [hbm4b:s1+s18], $0x80, s18, s18, $0xb8;
	[tilespmem:$0x1A400] =	vst v63  }
0x1f: {  	s10 =	simm.s32 $0x100  }
0x20: {  	[tilespmem:s22], [sflag:$0x3] =	stream.indirect.gather [hbm4b:s1+s18], $0x80, s10, s18, $0xb8;
	[tilespmem:$0x1A400] =	vst v63  }
0x21: {  	s8 =	simm.s32 $0x180  }
0x22: {  	[tilespmem:s24], [sflag:$0x4] =	stream.indirect.gather [hbm4b:s1+s18], $0x80, s8, s18, $0xb8;
	[tilespmem:$0x1A400] =	vst v63  }
0x23: {  	s9 =	simm.s32 $0x200  }
0x24: {  	[tilespmem:s26], [sflag:$0x5] =	stream.indirect.gather [hbm4b:s1+s18], $0x80, s9, s18, $0xb8;
	[tilespmem:$0x1A400] =	vst v63  }
0x25: {  	_ =	swait.ge [sflag:s28], $0x4000  }
0x26: {  	[sflag:s28] =	ssyncset.done $0x0  }
0x27: {  	[sflag:s28] =	ssyncadd.s32 $0xFFFFC000  }
0x28: {  	[hbm4b:s4+s3] =	stream.linear.scatter [tilespmem:s19], [sflag:$0x6], $0x4000, $0x38;
	[tilespmem:$0x1A400] =	vst v63  }
0x29: {  	_ =	swait.ge [sflag:s29], $0x4000  }
0x2a: {  	[sflag:s29] =	ssyncset.done $0x0  }
0x2b: {  	s10 =	rddreg [dreg:$0x5];
	[sflag:s29] =	ssyncadd.s32 $0xFFFFC000  }
0x2c: {  	[hbm4b:s10+s3] =	stream.linear.scatter [tilespmem:s20], [sflag:$0x7], $0x4000, $0x38;
	[tilespmem:$0x1A400] =	vst v63  }
0x2d: {  	_ =	swait.ge [sflag:s30], $0x4000  }
0x2e: {  	[sflag:s30] =	ssyncset.done $0x0  }
0x2f: {  	s8 =	simm.s32 $0x280;
	[sflag:s30] =	ssyncadd.s32 $0xFFFFC000  }
0x30: {  	[tilespmem:s19], [sflag:$0x1] =	stream.indirect.gather [hbm4b:s1+s18], $0x80, s8, s18, $0xb8;
	[tilespmem:$0x1A400] =	vst v63  }
0x31: {  	_ =	swait.ge [sflag:s2], $0x4000  }
0x32: {  	[sflag:s2] =	ssyncset.done $0x0  }
0x33: {  	s9 =	rddreg [dreg:$0x6];
	[sflag:s2] =	ssyncadd.s32 $0xFFFFC000  }
0x34: {  	[hbm4b:s9+s3] =	stream.linear.scatter [tilespmem:s22], [sflag:$0x8], $0x4000, $0x38;
	[tilespmem:$0x1A400] =	vst v63  }
0x35: {  	_ =	swait.ge [sflag:s0], $0x4000  }
0x36: {  	[sflag:s0] =	ssyncset.done $0x0  }
0x37: {  	s10 =	simm.s32 $0x300;
	[sflag:s0] =	ssyncadd.s32 $0xFFFFC000  }
0x38: {  	[tilespmem:s20], [sflag:$0x2] =	stream.indirect.gather [hbm4b:s1+s18], $0x80, s10, s18, $0xb8;
	[tilespmem:$0x1A400] =	vst v63  }
0x39: {  	_ =	swait.ge [sflag:s23], $0x4000  }
0x3a: {  	[sflag:s23] =	ssyncset.done $0x0  }
0x3b: {  	s8 =	rddreg [dreg:$0x7];
	[sflag:s23] =	ssyncadd.s32 $0xFFFFC000  }
0x3c: {  	[hbm4b:s8+s3] =	stream.linear.scatter [tilespmem:s24], [sflag:$0x9], $0x4000, $0x38;
	[tilespmem:$0x1A400] =	vst v63  }
0x3d: {  	_ =	swait.ge [sflag:s25], $0x4000  }
0x3e: {  	[sflag:s25] =	ssyncset.done $0x0  }
0x3f: {  	s9 =	simm.s32 $0x380;
	[sflag:s25] =	ssyncadd.s32 $0xFFFFC000  }
0x40: {  	[tilespmem:s22], [sflag:$0x3] =	stream.indirect.gather [hbm4b:s1+s18], $0x80, s9, s18, $0xb8;
	[tilespmem:$0x1A400] =	vst v63  }
0x41: {  	_ =	swait.ge [sflag:s21], $0x4000  }
0x42: {  	[sflag:s21] =	ssyncset.done $0x0  }
0x43: {  	s10 =	rddreg [dreg:$0x8];
	[sflag:s21] =	ssyncadd.s32 $0xFFFFC000  }
0x44: {  	[hbm4b:s10+s3] =	stream.linear.scatter [tilespmem:s26], [sflag:$0xA], $0x4000, $0x38;
	[tilespmem:$0x1A400] =	vst v63  }
0x45: {  	_ =	swait.ge [sflag:s31], $0x4000  }
0x46: {  	[sflag:s31] =	ssyncset.done $0x0  }
0x47: {  	s8 =	simm.s32 $0x400;
	[sflag:s31] =	ssyncadd.s32 $0xFFFFC000  }
0x48: {  	[tilespmem:s24], [sflag:$0x4] =	stream.indirect.gather [hbm4b:s1+s18], $0x80, s8, s18, $0xb8;
	[tilespmem:$0x1A400] =	vst v63  }
0x49: {  	_ =	swait.ge [sflag:s28], $0x4000  }
0x4a: {  	[sflag:s28] =	ssyncset.done $0x0  }
0x4b: {  	s9 =	sadd.s32 $0xFFFFE000, s16;
	[sflag:s28] =	ssyncadd.s32 $0xFFFFC000  }
0x4c: {  	[hbm4b:s9+s3] =	stream.linear.scatter [tilespmem:s19], [sflag:$0x6], $0x4000, $0x38;
	[tilespmem:$0x1A400] =	vst v63  }
0x4d: {  	_ =	swait.ge [sflag:s5], $0x4000  }
0x4e: {  	[sflag:s5] =	ssyncset.done $0x0  }
0x4f: {  	s10 =	simm.s32 $0x480;
	[sflag:s5] =	ssyncadd.s32 $0xFFFFC000  }
0x50: {  	[tilespmem:s26], [sflag:$0x5] =	stream.indirect.gather [hbm4b:s1+s18], $0x80, s10, s18, $0xb8;
	[tilespmem:$0x1A400] =	vst v63  }
0x51: {  	_ =	swait.ge [sflag:s29], $0x4000  }
0x52: {  	[sflag:s29] =	ssyncset.done $0x0  }
0x53: {  	s8 =	sadd.s32 $0xFFFFE800, s16;
	[sflag:s29] =	ssyncadd.s32 $0xFFFFC000  }
0x54: {  	[hbm4b:s8+s3] =	stream.linear.scatter [tilespmem:s20], [sflag:$0x7], $0x4000, $0x38;
	[tilespmem:$0x1A400] =	vst v63  }
0x55: {  	_ =	swait.ge [sflag:s30], $0x4000  }
0x56: {  	[sflag:s30] =	ssyncset.done $0x0  }
0x57: {  	s9 =	simm.s32 $0x500;
	[sflag:s30] =	ssyncadd.s32 $0xFFFFC000  }
0x58: {  	[tilespmem:s19], [sflag:$0x1] =	stream.indirect.gather [hbm4b:s1+s18], $0x80, s9, s18, $0xb8;
	[tilespmem:$0x1A400] =	vst v63  }
0x59: {  	_ =	swait.ge [sflag:s2], $0x4000  }
0x5a: {  	[sflag:s2] =	ssyncset.done $0x0  }
0x5b: {  	s10 =	sadd.s32 $0xFFFFF000, s16;
	[sflag:s2] =	ssyncadd.s32 $0xFFFFC000  }
0x5c: {  	[hbm4b:s10+s3] =	stream.linear.scatter [tilespmem:s22], [sflag:$0x8], $0x4000, $0x38;
	[tilespmem:$0x1A400] =	vst v63  }
0x5d: {  	_ =	swait.ge [sflag:s0], $0x4000  }
0x5e: {  	[sflag:s0] =	ssyncset.done $0x0  }
0x5f: {  	s8 =	simm.s32 $0x580;
	[sflag:s0] =	ssyncadd.s32 $0xFFFFC000  }
0x60: {  	[tilespmem:s20], [sflag:$0x2] =	stream.indirect.gather [hbm4b:s1+s18], $0x80, s8, s18, $0xb8;
	[tilespmem:$0x1A400] =	vst v63  }
0x61: {  	_ =	swait.ge [sflag:s23], $0x4000  }
0x62: {  	[sflag:s23] =	ssyncset.done $0x0  }
0x63: {  	s9 =	sadd.s32 $0xFFFFF800, s16;
	[sflag:s23] =	ssyncadd.s32 $0xFFFFC000  }
0x64: {  	[hbm4b:s9+s3] =	stream.linear.scatter [tilespmem:s24], [sflag:$0x9], $0x4000, $0x38;
	[tilespmem:$0x1A400] =	vst v63  }
0x65: {  	_ =	swait.ge [sflag:s25], $0x4000  }
0x66: {  	[sflag:s25] =	ssyncset.done $0x0  }
0x67: {  	s10 =	simm.s32 $0x600;
	[sflag:s25] =	ssyncadd.s32 $0xFFFFC000  }
0x68: {  	[tilespmem:s22], [sflag:$0x3] =	stream.indirect.gather [hbm4b:s1+s18], $0x80, s10, s18, $0xb8;
	[tilespmem:$0x1A400] =	vst v63  }
0x69: {  	_ =	swait.ge [sflag:s21], $0x4000  }
0x6a: {  	[sflag:s21] =	ssyncset.done $0x0  }
0x6b: {  	[sflag:s21] =	ssyncadd.s32 $0xFFFFC000  }
0x6c: {  	[hbm4b:s16+s3] =	stream.linear.scatter [tilespmem:s26], [sflag:$0xA], $0x4000, $0x38;
	[tilespmem:$0x1A400] =	vst v63  }
0x6d: {  	_ =	swait.ge [sflag:s31], $0x4000  }
0x6e: {  	s7 =	simm.s32 $0xA00;
	[sflag:s31] =	ssyncset.done $0x0  }
0x6f: {  	s8 =	sadd.s32 $0x2800, s16;
	s9 =	simm.s32 $0x680;
	[sflag:s31] =	ssyncadd.s32 $0xFFFFC000  }
.LBB2_2:
0x70: {  	[tilespmem:s24], [sflag:$0x4] =	stream.indirect.gather [hbm4b:s1+s18], $0x80, s9, s18, $0xb8;
	[tilespmem:$0x1A400] =	vst v63  }
0x71: {  	s9 =	smov.u32 s7  }
0x72: {  	p0 =	sne.s32 s7, $0x17200;
	s7 =	sadd.s32 $0xA00, s7;
	_ =	swait.ge [sflag:s28], $0x4000  }
0x73: {  	[sflag:s28] =	ssyncset.done $0x0  }
0x74: {  	s10 =	sadd.s32 $0xFFFFE000, s8;
	[sflag:s28] =	ssyncadd.s32 $0xFFFFC000  }
0x75: {  	[hbm4b:s10+s3] =	stream.linear.scatter [tilespmem:s19], [sflag:$0x6], $0x4000, $0x38;
	[tilespmem:$0x1A400] =	vst v63  }
0x76: {  	_ =	swait.ge [sflag:s5], $0x4000  }
0x77: {  	s9 =	sshra.s32 s9, $0x2;
	[sflag:s5] =	ssyncset.done $0x0  }
0x78: {  	s10 =	sadd.s32 $0x480, s9;
	[sflag:s5] =	ssyncadd.s32 $0xFFFFC000  }
0x79: {  	[tilespmem:s26], [sflag:$0x5] =	stream.indirect.gather [hbm4b:s1+s18], $0x80, s10, s18, $0xb8;
	[tilespmem:$0x1A400] =	vst v63  }
0x7a: {  	_ =	swait.ge [sflag:s29], $0x4000  }
0x7b: {  	[sflag:s29] =	ssyncset.done $0x0  }
0x7c: {  	s10 =	sadd.s32 $0xFFFFE800, s8;
	[sflag:s29] =	ssyncadd.s32 $0xFFFFC000  }
0x7d: {  	[hbm4b:s10+s3] =	stream.linear.scatter [tilespmem:s20], [sflag:$0x7], $0x4000, $0x38;
	[tilespmem:$0x1A400] =	vst v63  }
0x7e: {  	_ =	swait.ge [sflag:s30], $0x4000  }
0x7f: {  	[sflag:s30] =	ssyncset.done $0x0  }
0x80: {  	s10 =	sadd.s32 $0x500, s9;
	[sflag:s30] =	ssyncadd.s32 $0xFFFFC000  }
0x81: {  	[tilespmem:s19], [sflag:$0x1] =	stream.indirect.gather [hbm4b:s1+s18], $0x80, s10, s18, $0xb8;
	[tilespmem:$0x1A400] =	vst v63  }
0x82: {  	_ =	swait.ge [sflag:s2], $0x4000  }
0x83: {  	[sflag:s2] =	ssyncset.done $0x0  }
0x84: {  	s10 =	sadd.s32 $0xFFFFF000, s8;
	[sflag:s2] =	ssyncadd.s32 $0xFFFFC000  }
0x85: {  	[hbm4b:s10+s3] =	stream.linear.scatter [tilespmem:s22], [sflag:$0x8], $0x4000, $0x38;
	[tilespmem:$0x1A400] =	vst v63  }
0x86: {  	_ =	swait.ge [sflag:s0], $0x4000  }
0x87: {  	[sflag:s0] =	ssyncset.done $0x0  }
0x88: {  	s10 =	sadd.s32 $0x580, s9;
	[sflag:s0] =	ssyncadd.s32 $0xFFFFC000  }
0x89: {  	[tilespmem:s20], [sflag:$0x2] =	stream.indirect.gather [hbm4b:s1+s18], $0x80, s10, s18, $0xb8;
	[tilespmem:$0x1A400] =	vst v63  }
0x8a: {  	_ =	swait.ge [sflag:s23], $0x4000  }
0x8b: {  	[sflag:s23] =	ssyncset.done $0x0  }
0x8c: {  	s10 =	sadd.s32 $0xFFFFF800, s8;
	[sflag:s23] =	ssyncadd.s32 $0xFFFFC000  }
0x8d: {  	[hbm4b:s10+s3] =	stream.linear.scatter [tilespmem:s24], [sflag:$0x9], $0x4000, $0x38;
	[tilespmem:$0x1A400] =	vst v63  }
0x8e: {  	_ =	swait.ge [sflag:s25], $0x4000  }
0x8f: {  	[sflag:s25] =	ssyncset.done $0x0  }
0x90: {  	s10 =	sadd.s32 $0x600, s9;
	[sflag:s25] =	ssyncadd.s32 $0xFFFFC000  }
0x91: {  	[tilespmem:s22], [sflag:$0x3] =	stream.indirect.gather [hbm4b:s1+s18], $0x80, s10, s18, $0xb8;
	[tilespmem:$0x1A400] =	vst v63  }
0x92: {  	_ =	swait.ge [sflag:s21], $0x4000  }
0x93: {  	[sflag:s21] =	ssyncset.done $0x0  }
.Ltmp0:
0x94: {  	[sflag:s21] =	ssyncadd.s32 $0xFFFFC000;
	(pc) =	sbr.rel @p0 .LBB2_2-.Ltmp0, $4  }
0x95: {  	[hbm4b:s8+s3] =	stream.linear.scatter [tilespmem:s26], [sflag:$0xA], $0x4000, $0x38;
	[tilespmem:$0x1A400] =	vst v63  }
0x96: {  	_ =	swait.ge [sflag:s31], $0x4000  }
0x97: {  	[sflag:s31] =	ssyncset.done $0x0  }
0x98: {  	s9 =	sadd.s32 $0x680, s9;
	s8 =	sadd.s32 $0x2800, s8;
	[sflag:s31] =	ssyncadd.s32 $0xFFFFC000  }
0x99: {  	[tilespmem:s24], [sflag:$0x4] =	stream.indirect.gather [hbm4b:s1+s18], $0x80, s9, s18, $0xb8;
	[tilespmem:$0x1A400] =	vst v63  }
0x9a: {  	_ =	swait.ge [sflag:s28], $0x4000  }
0x9b: {  	[sflag:s28] =	ssyncset.done $0x0  }
0x9c: {  	s7 =	rddreg [dreg:$0x9];
	[sflag:s28] =	ssyncadd.s32 $0xFFFFC000  }
0x9d: {  	[hbm4b:s7+s3] =	stream.linear.scatter [tilespmem:s19], [sflag:$0x6], $0x4000, $0x38;
	[tilespmem:$0x1A400] =	vst v63  }
0x9e: {  	_ =	swait.ge [sflag:s5], $0x4000  }
0x9f: {  	[sflag:s5] =	ssyncset.done $0x0  }
0xa0: {  	s10 =	simm.s32 $0x6380;
	[sflag:s5] =	ssyncadd.s32 $0xFFFFC000  }
0xa1: {  	[tilespmem:s26], [sflag:$0x5] =	stream.indirect.gather [hbm4b:s1+s18], $0x80, s10, s18, $0xb8;
	[tilespmem:$0x1A400] =	vst v63  }
0xa2: {  	_ =	swait.ge [sflag:s29], $0x4000  }
0xa3: {  	[sflag:s29] =	ssyncset.done $0x0  }
0xa4: {  	[sflag:s29] =	ssyncadd.s32 $0xFFFFC000  }
0xa5: {  	[hbm4b:s11+s3] =	stream.linear.scatter [tilespmem:s20], [sflag:$0x7], $0x4000, $0x38;
	[tilespmem:$0x1A400] =	vst v63  }
0xa6: {  	_ =	swait.ge [sflag:s30], $0x4000  }
0xa7: {  	[sflag:s30] =	ssyncset.done $0x0  }
0xa8: {  	[sflag:s30] =	ssyncadd.s32 $0xFFFFC000  }
0xa9: {  	_ =	swait.ge [sflag:s2], $0x4000  }
0xaa: {  	[sflag:s2] =	ssyncset.done $0x0  }
0xab: {  	[sflag:s2] =	ssyncadd.s32 $0xFFFFC000  }
0xac: {  	[hbm4b:s12+s3] =	stream.linear.scatter [tilespmem:s22], [sflag:$0x8], $0x4000, $0x38;
	[tilespmem:$0x1A400] =	vst v63  }
0xad: {  	_ =	swait.ge [sflag:s0], $0x4000  }
0xae: {  	[sflag:s0] =	ssyncset.done $0x0  }
0xaf: {  	[sflag:s0] =	ssyncadd.s32 $0xFFFFC000  }
0xb0: {  	_ =	swait.ge [sflag:s23], $0x4000  }
0xb1: {  	[sflag:s23] =	ssyncset.done $0x0  }
0xb2: {  	[sflag:s23] =	ssyncadd.s32 $0xFFFFC000  }
0xb3: {  	[hbm4b:s13+s3] =	stream.linear.scatter [tilespmem:s24], [sflag:$0x9], $0x4000, $0x38;
	[tilespmem:$0x1A400] =	vst v63  }
0xb4: {  	_ =	swait.ge [sflag:s25], $0x4000  }
0xb5: {  	[sflag:s25] =	ssyncset.done $0x0  }
0xb6: {  	[sflag:s25] =	ssyncadd.s32 $0xFFFFC000  }
0xb7: {  	_ =	swait.ge [sflag:s21], $0x4000  }
0xb8: {  	[sflag:s21] =	ssyncset.done $0x0  }
0xb9: {  	s6 =	sadd.s32 $0x1, s6;
	[sflag:s21] =	ssyncadd.s32 $0xFFFFC000  }
0xba: {  	[hbm4b:s14+s3] =	stream.linear.scatter [tilespmem:s26], [sflag:$0xA], $0x4000, $0x38;
	[tilespmem:$0x1A400] =	vst v63  }
0xbb: {  	p0 =	sne.s32 s6, s15;
	_ =	swait.ge [sflag:s31], $0x4000  }
.Ltmp1:
0xbc: {  	[sflag:s31] =	ssyncset.done $0x0;
	(pc) =	sbr.rel @p0 .LBB2_1-.Ltmp1, $4  }
0xbd: {  	[sflag:s31] =	ssyncadd.s32 $0xFFFFC000  }
0xbe: {  	_ =	swait.ge [sflag:s5], $0x4000  }
0xbf: {  	[sflag:s5] =	ssyncset.done $0x0  }
0xc0: {  	[sflag:s5] =	ssyncadd.s32 $0xFFFFC000  }
0xc1: {  	_ =	sfence.sel $0x180000  }
0xc2: {  	[bflag:$0x0] =	sbarrier.arrive $0xFFFF  }
0xc3: {  	_ =	strace $0x90000047  }
0xc4: {  	s0 =	stileid.u32;
	[bflag:$0x2] =	sbarrier.arrive $0xFFFF  }
0xc5: {  	p0 =	sne.s32 s0, $0x0;
	s0 =	rddreg [dreg:$0x3]  }
0xc6: {  	s0 =	sadd.s32 @!p0 $0x100000, s0  }
0xc7: {  	[sflag:s0] =	ssyncadd.tile.s32 @!p0 $0x1;
	_ =	shalt  }
.Lfunc_end2:
_tile_overlayer_lowered:
.L_overlay_start_2:
0xc8: {  	(tag) =	ssettag $0x2  }
0xc9: {  	s0 =	rddreg [dreg:$0x0];
	s2 =	stileid.u32  }
0xca: {  	s1 =	rddreg [dreg:$0x1];
	p0 =	sne.s32 s2, $0x0  }
0xcb: {  	s3 =	rddreg [dreg:$0x2];
	[bflag:$0x3] =	sbarrier.arrive $0xFFFF;
	s2 =	simm.s32 @!p0 $0x1C0B  }
0xcc: {  	[timem:s3], [sflag:s2] =	dma.local @!p0 [hbm:s0], s1  }
0xcd: {  	s0 =	simm.s32 @!p0 $0xB  }
0xce: {  	_ =	swait.ge @!p0 [sflag:s0], s1  }
0xcf: {  	s1 =	ssub.s32 @!p0 $0x0, s1;
	[sflag:s0] =	ssyncset.done @!p0 $0x0  }
0xd0: {  	[sflag:s0] =	ssyncadd.s32 @!p0 s1  }
0xd1: {  	[bflag:$0x3] =	sbarrier.arrive $0xFFFF  }
0xd2: {  	_ =	shalt  }

</sc_bundles>
